<compile_context>
chip_gen: v7x
topology: tpu7x:2x2x1
jax: 0.10.2.dev20260603
libtpu: 0.0.44.dev20260713+nightly
codegen_flags: <defaults>
</compile_context>

<pallas_src>
import functools

import jax
import jax.numpy as jnp
from jax import lax
from jax.experimental import pallas as pl
from jax.experimental.pallas import tpu as pltpu
from jax.experimental.pallas import tpu_sc as plsc

_B, _C = 8, 128
_HF, _WF = 128, 128
_HC, _WC = 64, 64
_HS, _WS = 512, 512
_NF, _NCB = 8192, 8192


def _sc_gather(table, idx2d):
    info = plsc.get_sparse_core_info()
    n_cores, n_sub = info.num_cores, info.num_subcores
    nw = n_cores * n_sub
    nrows, lanes = idx2d.shape
    rows_per_w = nrows // nw
    d = table.shape[1]

    mesh = plsc.VectorSubcoreMesh(core_axis_name="c", subcore_axis_name="s")

    @functools.partial(
        pl.kernel,
        mesh=mesh,
        out_type=jax.ShapeDtypeStruct((nrows * lanes, d), jnp.float32),
        scratch_types=[
            pltpu.VMEM((rows_per_w, lanes), jnp.int32),
            pltpu.VMEM((lanes, d), jnp.float32),
            pltpu.VMEM((lanes, d), jnp.float32),
            pltpu.SemaphoreType.DMA,
            pltpu.SemaphoreType.DMA,
        ],
    )
    def gather_k(table_hbm, idx_hbm, out_hbm, idx_v, rows_a, rows_b, sem_a, sem_b):
        wid = lax.axis_index("s") * n_cores + lax.axis_index("c")
        base = wid * rows_per_w
        pltpu.sync_copy(idx_hbm.at[pl.ds(base, rows_per_w)], idx_v)
        bufs = (rows_a, rows_b)
        sems = (sem_a, sem_b)
        pltpu.async_copy(table_hbm.at[idx_v.at[0]], rows_a, sem_a)

        def body(t, carry):
            j0 = 2 * t
            for bsel in range(2):
                j = j0 + bsel
                buf, sem = bufs[bsel], sems[bsel]
                nbuf, nsem = bufs[1 - bsel], sems[1 - bsel]
                pltpu.make_async_copy(table_hbm.at[idx_v.at[j]], buf, sem).wait()

                @pl.when(j + 1 < rows_per_w)
                def _prefetch():
                    pltpu.async_copy(table_hbm.at[idx_v.at[j + 1]], nbuf, nsem)

                pltpu.sync_copy(buf, out_hbm.at[pl.ds((base + j) * lanes, lanes)])
            return carry

        lax.fori_loop(0, rows_per_w // 2, body, 0)

    return gather_k(table, idx2d)


def _blend(M, q, g, h_lat, w_lat, pool):
    hb = 8
    n_hblk = h_lat // hb
    spec_rows = hb * pool

    def body(m_ref, q_ref, g_ref, out_ref):
        m = m_ref[0, 0]
        a_i = lax.broadcasted_iota(jnp.int32, (hb, spec_rows), 0)
        a_j = lax.broadcasted_iota(jnp.int32, (hb, spec_rows), 1)
        amat = (a_j // pool == a_i).astype(jnp.float32)
        p_i = lax.broadcasted_iota(jnp.int32, (_WS, w_lat), 0)
        p_j = lax.broadcasted_iota(jnp.int32, (_WS, w_lat), 1)
        pmat = (p_i // pool == p_j).astype(jnp.float32)
        s = jnp.dot(amat, m, preferred_element_type=jnp.float32)
        pooled = jnp.dot(s, pmat, preferred_element_type=jnp.float32)
        mask3 = (pooled > 0.0)[None]
        gr = g_ref[...].reshape(hb, w_lat, _C)
        gt3 = jnp.transpose(gr, (2, 0, 1))
        out_ref[0] = jnp.where(mask3, gt3, q_ref[0])

    return pl.pallas_call(
        body,
        grid=(_B, n_hblk),
        in_specs=[
            pl.BlockSpec((1, 1, spec_rows, _WS), lambda b, i: (b, 0, i, 0)),
            pl.BlockSpec((1, _C, hb, w_lat), lambda b, i: (b, 0, i, 0)),
            pl.BlockSpec((hb * w_lat, _C), lambda b, i: (b * n_hblk + i, 0)),
        ],
        out_specs=pl.BlockSpec((1, _C, hb, w_lat), lambda b, i: (b, 0, i, 0)),
        out_shape=jax.ShapeDtypeStruct(q.shape, q.dtype),
    )(M, q, g)


def kernel(q_fine, q_coarse, M, codebook_fine, codebook_coarse):
    key = jax.random.key(42)
    kf, kc = jax.random.split(key)
    idx_f = jax.random.randint(kf, (_B, _HF, _WF), 0, _NF)
    idx_c = jax.random.randint(kc, (_B, _HC, _WC), 0, _NCB)

    g_c = _sc_gather(codebook_coarse, idx_c.reshape(-1, 128).astype(jnp.int32))
    g_f = _sc_gather(codebook_fine, idx_f.reshape(-1, 128).astype(jnp.int32))

    aug_c = _blend(M, q_coarse, g_c, _HC, _WC, _HS // _HC)
    aug_f = _blend(M, q_fine, g_f, _HF, _WF, _HS // _HF)
    return (aug_f, aug_c)

# --- scband reference (transcript-rebuilt; emitter-appended) ---
"""Pipeline reference for scband-anomaly-generation-57483842289819 (READ-ONLY COPY).

The authoritative reference and input builder live on the scoring server;
editing this copy changes nothing except your own understanding.
"""

import jax, jax.numpy as jnp
import numpy as np

B, C = 8, 128
HF, WF = 128, 128
HC, WC = 64, 64
HS, WS = 512, 512
NF, NC = 8192, 8192


def setup_inputs(seed: int = 0) -> dict:
    key = jax.random.key(seed)
    k1, k2, k3, k4, k5 = jax.random.split(key, 5)
    q_fine = jax.random.normal(k1, (B, C, HF, WF), dtype=jnp.float32)
    q_coarse = jax.random.normal(k2, (B, C, HC, WC), dtype=jnp.float32)
    M = jax.random.randint(k3, (B, 1, HS, WS), 0, 2).astype(jnp.float32)
    codebook_fine = jax.random.normal(k4, (NF, C), dtype=jnp.float32)
    codebook_coarse = jax.random.normal(k5, (NC, C), dtype=jnp.float32)
    return {
        "q_fine": q_fine,
        "q_coarse": q_coarse,
        "M": M,
        "codebook_fine": codebook_fine,
        "codebook_coarse": codebook_coarse,
    }


def _max_pool2d(x, kh, kw):
    return jax.lax.reduce_window(
        x, -jnp.inf, jax.lax.max,
        window_dimensions=(1, 1, kh, kw),
        window_strides=(1, 1, kh, kw),
        padding="VALID",
    )


def _project_spec_mask_to_latent_binary(M, H_lat, W_lat):
    Mf = M.astype(jnp.float32)
    H_spec, W_spec = Mf.shape[2], Mf.shape[3]
    kh = max(1, H_spec // H_lat)
    kw = max(1, W_spec // W_lat)
    M_lat = _max_pool2d(Mf, kh, kw)
    return (M_lat > 0).astype(jnp.float32)


def _generate_fake_anomalies_uniform(embeddings, codebook, mask, key):
    Bq, Cq, H, W = embeddings.shape
    N = codebook.shape[0]
    if mask.shape[-2:] != (H, W):
        # nearest interpolation (not needed for commensurate dims)
        ridx = (jnp.arange(H) * mask.shape[2] // H).astype(jnp.int32)
        cidx = (jnp.arange(W) * mask.shape[3] // W).astype(jnp.int32)
        mask = mask[:, :, ridx][:, :, :, cidx]
    random_indices = jax.random.randint(key, (Bq, H, W), 0, N)
    random_vecs = jnp.take(codebook, random_indices, axis=0)  # (B, H, W, C)
    random_vecs = jnp.transpose(random_vecs, (0, 3, 1, 2))    # (B, C, H, W)
    mask_exp = jnp.broadcast_to(mask, embeddings.shape)
    return mask_exp * random_vecs + (1.0 - mask_exp) * embeddings


def reference(q_fine, q_coarse, M, codebook_fine, codebook_coarse):
    # AnomalyGeneration(sampling='uniform').forward with augment_fine=augment_coarse=True.
    # vq_fine/vq_coarse modules are represented by their raw codebook weights.
    mask_fine = _project_spec_mask_to_latent_binary(M, q_fine.shape[2], q_fine.shape[3])
    mask_coarse = _project_spec_mask_to_latent_binary(M, q_coarse.shape[2], q_coarse.shape[3])
    key = jax.random.key(42)
    kf, kc = jax.random.split(key)
    aug_fine = _generate_fake_anomalies_uniform(q_fine, codebook_fine, mask_fine, kf)
    aug_coarse = _generate_fake_anomalies_uniform(q_coarse, codebook_coarse, mask_coarse, kc)
    return (aug_fine, aug_coarse)

if __name__ == "__main__":
    import jax
    _d = setup_inputs()
    print(jax.jit(kernel)(*tuple(_d.values())))

</pallas_src>

<mosaic_0001>
#map = affine_map<(d0, d1) -> (0, 0)>
module attributes {stable_mosaic.version = 14 : i64} {
  func.func @gather_k(%arg0: i32, %arg1: i32, %arg2: memref<8192x128xf32, #tpu.memory_space<hbm>>, %arg3: memref<1024x128xi32, #tpu.memory_space<hbm>>, %arg4: memref<131072x128xf32, #tpu.memory_space<hbm>>, %arg5: memref<32x128xi32, #tpu.memory_space<vmem>>, %arg6: memref<128x128xf32, #tpu.memory_space<vmem>>, %arg7: memref<128x128xf32, #tpu.memory_space<vmem>>, %arg8: memref<!tpu.dma_semaphore, #tpu.memory_space<semaphore_mem>>, %arg9: memref<!tpu.dma_semaphore, #tpu.memory_space<semaphore_mem>>) attributes {dimension_semantics = [#tpu.dimension_semantics<core_parallel>, #tpu.dimension_semantics<subcore_parallel>], iteration_bounds = array<i64: 2, 16>, scalar_prefetch = 0 : i64, scratch_operands = 5 : i64, tpu.core_type = #tpu.core_type<sc_vector_subcore>, window_params = [{transform_indices = #map}, {transform_indices = #map}, {transform_indices = #map}]} {
    %mul3A = arith.constant 2 : i32
    %mul3A_0 = arith.muli %arg1, %mul3A : i32
    %add3A = arith.addi %mul3A_0, %arg0 : i32
    %mul3A_1 = arith.constant 32 : i32
    %mul3A_2 = arith.muli %add3A, %mul3A_1 : i32
    "tpu.region"() ({
      %run_scoped3A = tpu.sem_alloc : memref<!tpu.dma_semaphore, #tpu.memory_space<semaphore_mem>>
      %dma_start3A_14 = arith.constant 0 : i32
      %dma_start3A_15 = tpu.memref_slice %arg3[%mul3A_2, %dma_start3A_14] : memref<1024x128xi32, #tpu.memory_space<hbm>> -> memref<32x128xi32, #tpu.memory_space<hbm>>
      %dma_start3A_16 = arith.constant 0 : i32
      %dma_start3A_17 = tpu.memref_slice %arg3[%mul3A_2, %dma_start3A_16] : memref<1024x128xi32, #tpu.memory_space<hbm>> -> memref<32x128xi32, #tpu.memory_space<hbm>>
      tpu.enqueue_dma source(%dma_start3A_17 : memref<32x128xi32, #tpu.memory_space<hbm>>) target(%arg5 : memref<32x128xi32, #tpu.memory_space<vmem>>) target_semaphore(%run_scoped3A : memref<!tpu.dma_semaphore, #tpu.memory_space<semaphore_mem>>)
      %dma_wait3A = arith.constant 0 : i32
      %dma_wait3A_18 = tpu.memref_slice %arg3[%mul3A_2, %dma_wait3A] : memref<1024x128xi32, #tpu.memory_space<hbm>> -> memref<32x128xi32, #tpu.memory_space<hbm>>
      %dma_wait3A_19 = arith.constant 0 : i32
      %dma_wait3A_20 = tpu.memref_slice %arg3[%mul3A_2, %dma_wait3A_19] : memref<1024x128xi32, #tpu.memory_space<hbm>> -> memref<32x128xi32, #tpu.memory_space<hbm>>
      tpu.wait_dma2 semaphore(%run_scoped3A : memref<!tpu.dma_semaphore, #tpu.memory_space<semaphore_mem>>) src(%dma_wait3A_20 : memref<32x128xi32, #tpu.memory_space<hbm>>) dst(%arg5 : memref<32x128xi32, #tpu.memory_space<vmem>>)
      tpu.yield
    }) : () -> ()
    %dma_start3A = arith.constant 0 : i32
    %dma_start3A_3 = arith.constant 0 : i32
    %dma_start3A_4 = tpu.memref_slice %arg5[%dma_start3A, %dma_start3A_3] : memref<32x128xi32, #tpu.memory_space<vmem>> -> memref<1x128xi32, #tpu.memory_space<vmem>>
    %dma_start3A_5 = tpu.memref_squeeze %dma_start3A_4 : memref<1x128xi32, #tpu.memory_space<vmem>> -> memref<128xi32, #tpu.memory_space<vmem>>
    %dma_start3A_6 = arith.constant 0 : i32
    %dma_start3A_7 = arith.constant 0 : i32
    %dma_start3A_8 = tpu.memref_slice %arg2[%dma_start3A_6, %dma_start3A_7] : memref<8192x128xf32, #tpu.memory_space<hbm>> -> memref<8192x128xf32, #tpu.memory_space<hbm>>
    tpu.enqueue_indirect_dma source(%dma_start3A_8 : memref<8192x128xf32, #tpu.memory_space<hbm>>) target(%arg6 : memref<128x128xf32, #tpu.memory_space<vmem>>) offsets(%dma_start3A_5 : memref<128xi32, #tpu.memory_space<vmem>>) semaphore(%arg8 : memref<!tpu.dma_semaphore, #tpu.memory_space<semaphore_mem>>)
    %scan3A = arith.constant 0 : i32
    %scan3A_9 = arith.constant 0 : i32
    %scan3A_10 = arith.constant 16 : i32
    %scan3A_11 = arith.addi %scan3A_9, %scan3A_10 : i32
    %scan3A_12 = arith.constant 1 : i32
    scf.for %scan3A_14 = %scan3A_9 to %scan3A_11 step %scan3A_12  : i32 {
      %mul3A_15 = arith.constant 2 : i32
      %mul3A_16 = arith.muli %mul3A_15, %scan3A_14 : i32
      %add3A_17 = arith.constant 0 : i32
      %add3A_18 = arith.addi %mul3A_16, %add3A_17 : i32
      %dma_wait3A = arith.constant 0 : i32
      %dma_wait3A_19 = tpu.memref_slice %arg5[%add3A_18, %dma_wait3A] : memref<32x128xi32, #tpu.memory_space<vmem>> -> memref<1x128xi32, #tpu.memory_space<vmem>>
      %dma_wait3A_20 = tpu.memref_squeeze %dma_wait3A_19 : memref<1x128xi32, #tpu.memory_space<vmem>> -> memref<128xi32, #tpu.memory_space<vmem>>
      %dma_wait3A_21 = arith.constant 0 : i32
      %dma_wait3A_22 = arith.constant 0 : i32
      %dma_wait3A_23 = tpu.memref_slice %arg2[%dma_wait3A_21, %dma_wait3A_22] : memref<8192x128xf32, #tpu.memory_space<hbm>> -> memref<8192x128xf32, #tpu.memory_space<hbm>>
      tpu.wait_indirect_dma semaphore(%arg8 : memref<!tpu.dma_semaphore, #tpu.memory_space<semaphore_mem>>) src(%dma_wait3A_23 : memref<8192x128xf32, #tpu.memory_space<hbm>>) dst(%arg6 : memref<128x128xf32, #tpu.memory_space<vmem>>)
      %add3A_24 = arith.constant 1 : i32
      %add3A_25 = arith.addi %add3A_18, %add3A_24 : i32
      %lt3A = arith.constant 32 : i32
      %lt3A_26 = arith.cmpi slt, %add3A_25, %lt3A : i32
      %convert_element_type3A = arith.extui %lt3A_26 : i1 to i32
      %cond3A = arith.constant 0 : i32
      %cond3A_27 = arith.cmpi ne, %convert_element_type3A, %cond3A : i32
      scf.if %cond3A_27 {
        %add3A_49 = arith.constant 1 : i32
        %add3A_50 = arith.addi %add3A_18, %add3A_49 : i32
        %dma_start3A_51 = arith.constant 0 : i32
        %dma_start3A_52 = tpu.memref_slice %arg5[%add3A_50, %dma_start3A_51] : memref<32x128xi32, #tpu.memory_space<vmem>> -> memref<1x128xi32, #tpu.memory_space<vmem>>
        %dma_start3A_53 = tpu.memref_squeeze %dma_start3A_52 : memref<1x128xi32, #tpu.memory_space<vmem>> -> memref<128xi32, #tpu.memory_space<vmem>>
        %dma_start3A_54 = arith.constant 0 : i32
        %dma_start3A_55 = arith.constant 0 : i32
        %dma_start3A_56 = tpu.memref_slice %arg2[%dma_start3A_54, %dma_start3A_55] : memref<8192x128xf32, #tpu.memory_space<hbm>> -> memref<8192x128xf32, #tpu.memory_space<hbm>>
        tpu.enqueue_indirect_dma source(%dma_start3A_56 : memref<8192x128xf32, #tpu.memory_space<hbm>>) target(%arg7 : memref<128x128xf32, #tpu.memory_space<vmem>>) offsets(%dma_start3A_53 : memref<128xi32, #tpu.memory_space<vmem>>) semaphore(%arg9 : memref<!tpu.dma_semaphore, #tpu.memory_space<semaphore_mem>>)
      } else {
      }
      %add3A_28 = arith.addi %mul3A_2, %add3A_18 : i32
      %mul3A_29 = arith.constant 128 : i32
      %mul3A_30 = arith.muli %add3A_28, %mul3A_29 : i32
      "tpu.region"() ({
        %run_scoped3A = tpu.sem_alloc : memref<!tpu.dma_semaphore, #tpu.memory_space<semaphore_mem>>
        %dma_start3A_49 = arith.constant 0 : i32
        %dma_start3A_50 = tpu.memref_slice %arg4[%mul3A_30, %dma_start3A_49] : memref<131072x128xf32, #tpu.memory_space<hbm>> -> memref<128x128xf32, #tpu.memory_space<hbm>>
        %dma_start3A_51 = arith.constant 0 : i32
        %dma_start3A_52 = tpu.memref_slice %arg4[%mul3A_30, %dma_start3A_51] : memref<131072x128xf32, #tpu.memory_space<hbm>> -> memref<128x128xf32, #tpu.memory_space<hbm>>
        tpu.enqueue_dma source(%arg6 : memref<128x128xf32, #tpu.memory_space<vmem>>) target(%dma_start3A_52 : memref<128x128xf32, #tpu.memory_space<hbm>>) target_semaphore(%run_scoped3A : memref<!tpu.dma_semaphore, #tpu.memory_space<semaphore_mem>>)
        %dma_wait3A_53 = arith.constant 0 : i32
        %dma_wait3A_54 = tpu.memref_slice %arg4[%mul3A_30, %dma_wait3A_53] : memref<131072x128xf32, #tpu.memory_space<hbm>> -> memref<128x128xf32, #tpu.memory_space<hbm>>
        %dma_wait3A_55 = arith.constant 0 : i32
        %dma_wait3A_56 = tpu.memref_slice %arg4[%mul3A_30, %dma_wait3A_55] : memref<131072x128xf32, #tpu.memory_space<hbm>> -> memref<128x128xf32, #tpu.memory_space<hbm>>
        tpu.wait_dma2 semaphore(%run_scoped3A : memref<!tpu.dma_semaphore, #tpu.memory_space<semaphore_mem>>) src(%arg6 : memref<128x128xf32, #tpu.memory_space<vmem>>) dst(%dma_wait3A_56 : memref<128x128xf32, #tpu.memory_space<hbm>>)
        tpu.yield
      }) : () -> ()
      %add3A_31 = arith.constant 1 : i32
      %add3A_32 = arith.addi %mul3A_16, %add3A_31 : i32
      %dma_wait3A_33 = arith.constant 0 : i32
      %dma_wait3A_34 = tpu.memref_slice %arg5[%add3A_32, %dma_wait3A_33] : memref<32x128xi32, #tpu.memory_space<vmem>> -> memref<1x128xi32, #tpu.memory_space<vmem>>
      %dma_wait3A_35 = tpu.memref_squeeze %dma_wait3A_34 : memref<1x128xi32, #tpu.memory_space<vmem>> -> memref<128xi32, #tpu.memory_space<vmem>>
      %dma_wait3A_36 = arith.constant 0 : i32
      %dma_wait3A_37 = arith.constant 0 : i32
      %dma_wait3A_38 = tpu.memref_slice %arg2[%dma_wait3A_36, %dma_wait3A_37] : memref<8192x128xf32, #tpu.memory_space<hbm>> -> memref<8192x128xf32, #tpu.memory_space<hbm>>
      tpu.wait_indirect_dma semaphore(%arg9 : memref<!tpu.dma_semaphore, #tpu.memory_space<semaphore_mem>>) src(%dma_wait3A_38 : memref<8192x128xf32, #tpu.memory_space<hbm>>) dst(%arg7 : memref<128x128xf32, #tpu.memory_space<vmem>>)
      %add3A_39 = arith.constant 1 : i32
      %add3A_40 = arith.addi %add3A_32, %add3A_39 : i32
      %lt3A_41 = arith.constant 32 : i32
      %lt3A_42 = arith.cmpi slt, %add3A_40, %lt3A_41 : i32
      %convert_element_type3A_43 = arith.extui %lt3A_42 : i1 to i32
      %cond3A_44 = arith.constant 0 : i32
      %cond3A_45 = arith.cmpi ne, %convert_element_type3A_43, %cond3A_44 : i32
      scf.if %cond3A_45 {
        %add3A_49 = arith.constant 1 : i32
        %add3A_50 = arith.addi %add3A_32, %add3A_49 : i32
        %dma_start3A_51 = arith.constant 0 : i32
        %dma_start3A_52 = tpu.memref_slice %arg5[%add3A_50, %dma_start3A_51] : memref<32x128xi32, #tpu.memory_space<vmem>> -> memref<1x128xi32, #tpu.memory_space<vmem>>
        %dma_start3A_53 = tpu.memref_squeeze %dma_start3A_52 : memref<1x128xi32, #tpu.memory_space<vmem>> -> memref<128xi32, #tpu.memory_space<vmem>>
        %dma_start3A_54 = arith.constant 0 : i32
        %dma_start3A_55 = arith.constant 0 : i32
        %dma_start3A_56 = tpu.memref_slice %arg2[%dma_start3A_54, %dma_start3A_55] : memref<8192x128xf32, #tpu.memory_space<hbm>> -> memref<8192x128xf32, #tpu.memory_space<hbm>>
        tpu.enqueue_indirect_dma source(%dma_start3A_56 : memref<8192x128xf32, #tpu.memory_space<hbm>>) target(%arg6 : memref<128x128xf32, #tpu.memory_space<vmem>>) offsets(%dma_start3A_53 : memref<128xi32, #tpu.memory_space<vmem>>) semaphore(%arg8 : memref<!tpu.dma_semaphore, #tpu.memory_space<semaphore_mem>>)
      } else {
      }
      %add3A_46 = arith.addi %mul3A_2, %add3A_32 : i32
      %mul3A_47 = arith.constant 128 : i32
      %mul3A_48 = arith.muli %add3A_46, %mul3A_47 : i32
      "tpu.region"() ({
        %run_scoped3A = tpu.sem_alloc : memref<!tpu.dma_semaphore, #tpu.memory_space<semaphore_mem>>
        %dma_start3A_49 = arith.constant 0 : i32
        %dma_start3A_50 = tpu.memref_slice %arg4[%mul3A_48, %dma_start3A_49] : memref<131072x128xf32, #tpu.memory_space<hbm>> -> memref<128x128xf32, #tpu.memory_space<hbm>>
        %dma_start3A_51 = arith.constant 0 : i32
        %dma_start3A_52 = tpu.memref_slice %arg4[%mul3A_48, %dma_start3A_51] : memref<131072x128xf32, #tpu.memory_space<hbm>> -> memref<128x128xf32, #tpu.memory_space<hbm>>
        tpu.enqueue_dma source(%arg7 : memref<128x128xf32, #tpu.memory_space<vmem>>) target(%dma_start3A_52 : memref<128x128xf32, #tpu.memory_space<hbm>>) target_semaphore(%run_scoped3A : memref<!tpu.dma_semaphore, #tpu.memory_space<semaphore_mem>>)
        %dma_wait3A_53 = arith.constant 0 : i32
        %dma_wait3A_54 = tpu.memref_slice %arg4[%mul3A_48, %dma_wait3A_53] : memref<131072x128xf32, #tpu.memory_space<hbm>> -> memref<128x128xf32, #tpu.memory_space<hbm>>
        %dma_wait3A_55 = arith.constant 0 : i32
        %dma_wait3A_56 = tpu.memref_slice %arg4[%mul3A_48, %dma_wait3A_55] : memref<131072x128xf32, #tpu.memory_space<hbm>> -> memref<128x128xf32, #tpu.memory_space<hbm>>
        tpu.wait_dma2 semaphore(%run_scoped3A : memref<!tpu.dma_semaphore, #tpu.memory_space<semaphore_mem>>) src(%arg7 : memref<128x128xf32, #tpu.memory_space<vmem>>) dst(%dma_wait3A_56 : memref<128x128xf32, #tpu.memory_space<hbm>>)
        tpu.yield
      }) : () -> ()
    }
    %scan3A_13 = arith.constant 16 : i32
    return
  }
}

#map = affine_map<(d0, d1) -> (0, 0)>
module attributes {stable_mosaic.version = 14 : i64} {
  func.func @gather_k(%arg0: i32, %arg1: i32, %arg2: memref<8192x128xf32, #tpu.memory_space<hbm>>, %arg3: memref<256x128xi32, #tpu.memory_space<hbm>>, %arg4: memref<32768x128xf32, #tpu.memory_space<hbm>>, %arg5: memref<8x128xi32, #tpu.memory_space<vmem>>, %arg6: memref<128x128xf32, #tpu.memory_space<vmem>>, %arg7: memref<128x128xf32, #tpu.memory_space<vmem>>, %arg8: memref<!tpu.dma_semaphore, #tpu.memory_space<semaphore_mem>>, %arg9: memref<!tpu.dma_semaphore, #tpu.memory_space<semaphore_mem>>) attributes {dimension_semantics = [#tpu.dimension_semantics<core_parallel>, #tpu.dimension_semantics<subcore_parallel>], iteration_bounds = array<i64: 2, 16>, scalar_prefetch = 0 : i64, scratch_operands = 5 : i64, tpu.core_type = #tpu.core_type<sc_vector_subcore>, window_params = [{transform_indices = #map}, {transform_indices = #map}, {transform_indices = #map}]} {
    %mul3A = arith.constant 2 : i32
    %mul3A_0 = arith.muli %arg1, %mul3A : i32
    %add3A = arith.addi %mul3A_0, %arg0 : i32
    %mul3A_1 = arith.constant 8 : i32
    %mul3A_2 = arith.muli %add3A, %mul3A_1 : i32
    "tpu.region"() ({
      %run_scoped3A = tpu.sem_alloc : memref<!tpu.dma_semaphore, #tpu.memory_space<semaphore_mem>>
      %dma_start3A_14 = arith.constant 0 : i32
      %dma_start3A_15 = tpu.memref_slice %arg3[%mul3A_2, %dma_start3A_14] : memref<256x128xi32, #tpu.memory_space<hbm>> -> memref<8x128xi32, #tpu.memory_space<hbm>>
      %dma_start3A_16 = arith.constant 0 : i32
      %dma_start3A_17 = tpu.memref_slice %arg3[%mul3A_2, %dma_start3A_16] : memref<256x128xi32, #tpu.memory_space<hbm>> -> memref<8x128xi32, #tpu.memory_space<hbm>>
      tpu.enqueue_dma source(%dma_start3A_17 : memref<8x128xi32, #tpu.memory_space<hbm>>) target(%arg5 : memref<8x128xi32, #tpu.memory_space<vmem>>) target_semaphore(%run_scoped3A : memref<!tpu.dma_semaphore, #tpu.memory_space<semaphore_mem>>)
      %dma_wait3A = arith.constant 0 : i32
      %dma_wait3A_18 = tpu.memref_slice %arg3[%mul3A_2, %dma_wait3A] : memref<256x128xi32, #tpu.memory_space<hbm>> -> memref<8x128xi32, #tpu.memory_space<hbm>>
      %dma_wait3A_19 = arith.constant 0 : i32
      %dma_wait3A_20 = tpu.memref_slice %arg3[%mul3A_2, %dma_wait3A_19] : memref<256x128xi32, #tpu.memory_space<hbm>> -> memref<8x128xi32, #tpu.memory_space<hbm>>
      tpu.wait_dma2 semaphore(%run_scoped3A : memref<!tpu.dma_semaphore, #tpu.memory_space<semaphore_mem>>) src(%dma_wait3A_20 : memref<8x128xi32, #tpu.memory_space<hbm>>) dst(%arg5 : memref<8x128xi32, #tpu.memory_space<vmem>>)
      tpu.yield
    }) : () -> ()
    %dma_start3A = arith.constant 0 : i32
    %dma_start3A_3 = arith.constant 0 : i32
    %dma_start3A_4 = tpu.memref_slice %arg5[%dma_start3A, %dma_start3A_3] : memref<8x128xi32, #tpu.memory_space<vmem>> -> memref<1x128xi32, #tpu.memory_space<vmem>>
    %dma_start3A_5 = tpu.memref_squeeze %dma_start3A_4 : memref<1x128xi32, #tpu.memory_space<vmem>> -> memref<128xi32, #tpu.memory_space<vmem>>
    %dma_start3A_6 = arith.constant 0 : i32
    %dma_start3A_7 = arith.constant 0 : i32
    %dma_start3A_8 = tpu.memref_slice %arg2[%dma_start3A_6, %dma_start3A_7] : memref<8192x128xf32, #tpu.memory_space<hbm>> -> memref<8192x128xf32, #tpu.memory_space<hbm>>
    tpu.enqueue_indirect_dma source(%dma_start3A_8 : memref<8192x128xf32, #tpu.memory_space<hbm>>) target(%arg6 : memref<128x128xf32, #tpu.memory_space<vmem>>) offsets(%dma_start3A_5 : memref<128xi32, #tpu.memory_space<vmem>>) semaphore(%arg8 : memref<!tpu.dma_semaphore, #tpu.memory_space<semaphore_mem>>)
    %scan3A = arith.constant 0 : i32
    %scan3A_9 = arith.constant 0 : i32
    %scan3A_10 = arith.constant 4 : i32
    %scan3A_11 = arith.addi %scan3A_9, %scan3A_10 : i32
    %scan3A_12 = arith.constant 1 : i32
    scf.for %scan3A_14 = %scan3A_9 to %scan3A_11 step %scan3A_12  : i32 {
      %mul3A_15 = arith.constant 2 : i32
      %mul3A_16 = arith.muli %mul3A_15, %scan3A_14 : i32
      %add3A_17 = arith.constant 0 : i32
      %add3A_18 = arith.addi %mul3A_16, %add3A_17 : i32
      %dma_wait3A = arith.constant 0 : i32
      %dma_wait3A_19 = tpu.memref_slice %arg5[%add3A_18, %dma_wait3A] : memref<8x128xi32, #tpu.memory_space<vmem>> -> memref<1x128xi32, #tpu.memory_space<vmem>>
      %dma_wait3A_20 = tpu.memref_squeeze %dma_wait3A_19 : memref<1x128xi32, #tpu.memory_space<vmem>> -> memref<128xi32, #tpu.memory_space<vmem>>
      %dma_wait3A_21 = arith.constant 0 : i32
      %dma_wait3A_22 = arith.constant 0 : i32
      %dma_wait3A_23 = tpu.memref_slice %arg2[%dma_wait3A_21, %dma_wait3A_22] : memref<8192x128xf32, #tpu.memory_space<hbm>> -> memref<8192x128xf32, #tpu.memory_space<hbm>>
      tpu.wait_indirect_dma semaphore(%arg8 : memref<!tpu.dma_semaphore, #tpu.memory_space<semaphore_mem>>) src(%dma_wait3A_23 : memref<8192x128xf32, #tpu.memory_space<hbm>>) dst(%arg6 : memref<128x128xf32, #tpu.memory_space<vmem>>)
      %add3A_24 = arith.constant 1 : i32
      %add3A_25 = arith.addi %add3A_18, %add3A_24 : i32
      %lt3A = arith.constant 8 : i32
      %lt3A_26 = arith.cmpi slt, %add3A_25, %lt3A : i32
      %convert_element_type3A = arith.extui %lt3A_26 : i1 to i32
      %cond3A = arith.constant 0 : i32
      %cond3A_27 = arith.cmpi ne, %convert_element_type3A, %cond3A : i32
      scf.if %cond3A_27 {
        %add3A_49 = arith.constant 1 : i32
        %add3A_50 = arith.addi %add3A_18, %add3A_49 : i32
        %dma_start3A_51 = arith.constant 0 : i32
        %dma_start3A_52 = tpu.memref_slice %arg5[%add3A_50, %dma_start3A_51] : memref<8x128xi32, #tpu.memory_space<vmem>> -> memref<1x128xi32, #tpu.memory_space<vmem>>
        %dma_start3A_53 = tpu.memref_squeeze %dma_start3A_52 : memref<1x128xi32, #tpu.memory_space<vmem>> -> memref<128xi32, #tpu.memory_space<vmem>>
        %dma_start3A_54 = arith.constant 0 : i32
        %dma_start3A_55 = arith.constant 0 : i32
        %dma_start3A_56 = tpu.memref_slice %arg2[%dma_start3A_54, %dma_start3A_55] : memref<8192x128xf32, #tpu.memory_space<hbm>> -> memref<8192x128xf32, #tpu.memory_space<hbm>>
        tpu.enqueue_indirect_dma source(%dma_start3A_56 : memref<8192x128xf32, #tpu.memory_space<hbm>>) target(%arg7 : memref<128x128xf32, #tpu.memory_space<vmem>>) offsets(%dma_start3A_53 : memref<128xi32, #tpu.memory_space<vmem>>) semaphore(%arg9 : memref<!tpu.dma_semaphore, #tpu.memory_space<semaphore_mem>>)
      } else {
      }
      %add3A_28 = arith.addi %mul3A_2, %add3A_18 : i32
      %mul3A_29 = arith.constant 128 : i32
      %mul3A_30 = arith.muli %add3A_28, %mul3A_29 : i32
      "tpu.region"() ({
        %run_scoped3A = tpu.sem_alloc : memref<!tpu.dma_semaphore, #tpu.memory_space<semaphore_mem>>
        %dma_start3A_49 = arith.constant 0 : i32
        %dma_start3A_50 = tpu.memref_slice %arg4[%mul3A_30, %dma_start3A_49] : memref<32768x128xf32, #tpu.memory_space<hbm>> -> memref<128x128xf32, #tpu.memory_space<hbm>>
        %dma_start3A_51 = arith.constant 0 : i32
        %dma_start3A_52 = tpu.memref_slice %arg4[%mul3A_30, %dma_start3A_51] : memref<32768x128xf32, #tpu.memory_space<hbm>> -> memref<128x128xf32, #tpu.memory_space<hbm>>
        tpu.enqueue_dma source(%arg6 : memref<128x128xf32, #tpu.memory_space<vmem>>) target(%dma_start3A_52 : memref<128x128xf32, #tpu.memory_space<hbm>>) target_semaphore(%run_scoped3A : memref<!tpu.dma_semaphore, #tpu.memory_space<semaphore_mem>>)
        %dma_wait3A_53 = arith.constant 0 : i32
        %dma_wait3A_54 = tpu.memref_slice %arg4[%mul3A_30, %dma_wait3A_53] : memref<32768x128xf32, #tpu.memory_space<hbm>> -> memref<128x128xf32, #tpu.memory_space<hbm>>
        %dma_wait3A_55 = arith.constant 0 : i32
        %dma_wait3A_56 = tpu.memref_slice %arg4[%mul3A_30, %dma_wait3A_55] : memref<32768x128xf32, #tpu.memory_space<hbm>> -> memref<128x128xf32, #tpu.memory_space<hbm>>
        tpu.wait_dma2 semaphore(%run_scoped3A : memref<!tpu.dma_semaphore, #tpu.memory_space<semaphore_mem>>) src(%arg6 : memref<128x128xf32, #tpu.memory_space<vmem>>) dst(%dma_wait3A_56 : memref<128x128xf32, #tpu.memory_space<hbm>>)
        tpu.yield
      }) : () -> ()
      %add3A_31 = arith.constant 1 : i32
      %add3A_32 = arith.addi %mul3A_16, %add3A_31 : i32
      %dma_wait3A_33 = arith.constant 0 : i32
      %dma_wait3A_34 = tpu.memref_slice %arg5[%add3A_32, %dma_wait3A_33] : memref<8x128xi32, #tpu.memory_space<vmem>> -> memref<1x128xi32, #tpu.memory_space<vmem>>
      %dma_wait3A_35 = tpu.memref_squeeze %dma_wait3A_34 : memref<1x128xi32, #tpu.memory_space<vmem>> -> memref<128xi32, #tpu.memory_space<vmem>>
      %dma_wait3A_36 = arith.constant 0 : i32
      %dma_wait3A_37 = arith.constant 0 : i32
      %dma_wait3A_38 = tpu.memref_slice %arg2[%dma_wait3A_36, %dma_wait3A_37] : memref<8192x128xf32, #tpu.memory_space<hbm>> -> memref<8192x128xf32, #tpu.memory_space<hbm>>
      tpu.wait_indirect_dma semaphore(%arg9 : memref<!tpu.dma_semaphore, #tpu.memory_space<semaphore_mem>>) src(%dma_wait3A_38 : memref<8192x128xf32, #tpu.memory_space<hbm>>) dst(%arg7 : memref<128x128xf32, #tpu.memory_space<vmem>>)
      %add3A_39 = arith.constant 1 : i32
      %add3A_40 = arith.addi %add3A_32, %add3A_39 : i32
      %lt3A_41 = arith.constant 8 : i32
      %lt3A_42 = arith.cmpi slt, %add3A_40, %lt3A_41 : i32
      %convert_element_type3A_43 = arith.extui %lt3A_42 : i1 to i32
      %cond3A_44 = arith.constant 0 : i32
      %cond3A_45 = arith.cmpi ne, %convert_element_type3A_43, %cond3A_44 : i32
      scf.if %cond3A_45 {
        %add3A_49 = arith.constant 1 : i32
        %add3A_50 = arith.addi %add3A_32, %add3A_49 : i32
        %dma_start3A_51 = arith.constant 0 : i32
        %dma_start3A_52 = tpu.memref_slice %arg5[%add3A_50, %dma_start3A_51] : memref<8x128xi32, #tpu.memory_space<vmem>> -> memref<1x128xi32, #tpu.memory_space<vmem>>
        %dma_start3A_53 = tpu.memref_squeeze %dma_start3A_52 : memref<1x128xi32, #tpu.memory_space<vmem>> -> memref<128xi32, #tpu.memory_space<vmem>>
        %dma_start3A_54 = arith.constant 0 : i32
        %dma_start3A_55 = arith.constant 0 : i32
        %dma_start3A_56 = tpu.memref_slice %arg2[%dma_start3A_54, %dma_start3A_55] : memref<8192x128xf32, #tpu.memory_space<hbm>> -> memref<8192x128xf32, #tpu.memory_space<hbm>>
        tpu.enqueue_indirect_dma source(%dma_start3A_56 : memref<8192x128xf32, #tpu.memory_space<hbm>>) target(%arg6 : memref<128x128xf32, #tpu.memory_space<vmem>>) offsets(%dma_start3A_53 : memref<128xi32, #tpu.memory_space<vmem>>) semaphore(%arg8 : memref<!tpu.dma_semaphore, #tpu.memory_space<semaphore_mem>>)
      } else {
      }
      %add3A_46 = arith.addi %mul3A_2, %add3A_32 : i32
      %mul3A_47 = arith.constant 128 : i32
      %mul3A_48 = arith.muli %add3A_46, %mul3A_47 : i32
      "tpu.region"() ({
        %run_scoped3A = tpu.sem_alloc : memref<!tpu.dma_semaphore, #tpu.memory_space<semaphore_mem>>
        %dma_start3A_49 = arith.constant 0 : i32
        %dma_start3A_50 = tpu.memref_slice %arg4[%mul3A_48, %dma_start3A_49] : memref<32768x128xf32, #tpu.memory_space<hbm>> -> memref<128x128xf32, #tpu.memory_space<hbm>>
        %dma_start3A_51 = arith.constant 0 : i32
        %dma_start3A_52 = tpu.memref_slice %arg4[%mul3A_48, %dma_start3A_51] : memref<32768x128xf32, #tpu.memory_space<hbm>> -> memref<128x128xf32, #tpu.memory_space<hbm>>
        tpu.enqueue_dma source(%arg7 : memref<128x128xf32, #tpu.memory_space<vmem>>) target(%dma_start3A_52 : memref<128x128xf32, #tpu.memory_space<hbm>>) target_semaphore(%run_scoped3A : memref<!tpu.dma_semaphore, #tpu.memory_space<semaphore_mem>>)
        %dma_wait3A_53 = arith.constant 0 : i32
        %dma_wait3A_54 = tpu.memref_slice %arg4[%mul3A_48, %dma_wait3A_53] : memref<32768x128xf32, #tpu.memory_space<hbm>> -> memref<128x128xf32, #tpu.memory_space<hbm>>
        %dma_wait3A_55 = arith.constant 0 : i32
        %dma_wait3A_56 = tpu.memref_slice %arg4[%mul3A_48, %dma_wait3A_55] : memref<32768x128xf32, #tpu.memory_space<hbm>> -> memref<128x128xf32, #tpu.memory_space<hbm>>
        tpu.wait_dma2 semaphore(%run_scoped3A : memref<!tpu.dma_semaphore, #tpu.memory_space<semaphore_mem>>) src(%arg7 : memref<128x128xf32, #tpu.memory_space<vmem>>) dst(%dma_wait3A_56 : memref<128x128xf32, #tpu.memory_space<hbm>>)
        tpu.yield
      }) : () -> ()
    }
    %scan3A_13 = arith.constant 4 : i32
    return
  }
}

module attributes {stable_mosaic.version = 14 : i64} {
  func.func @body(%arg0: i32, %arg1: i32, %arg2: memref<1x1x64x512xf32, #tpu.memory_space<vmem>>, %arg3: memref<1x128x8x64xf32, #tpu.memory_space<vmem>>, %arg4: memref<512x128xf32, #tpu.memory_space<vmem>>, %arg5: memref<1x128x8x64xf32, #tpu.memory_space<vmem>>) attributes {dimension_semantics = [#tpu.dimension_semantics<arbitrary>, #tpu.dimension_semantics<arbitrary>], iteration_bounds = array<i64: 8, 8>, scalar_prefetch = 0 : i64, scratch_operands = 0 : i64, tpu.core_type = #tpu.core_type<tc>, window_params = [{transform_indices = @transform_0, window_bounds = array<i64: 1, 1, 64, 512>}, {transform_indices = @transform_1, window_bounds = array<i64: 1, 128, 8, 64>}, {transform_indices = @transform_2, window_bounds = array<i64: 512, 128>}, {transform_indices = @transform_3, window_bounds = array<i64: 1, 128, 8, 64>}]} {
    %get3A = arith.constant 0 : index
    %get3A_0 = arith.constant 0 : index
    %get3A_1 = arith.constant 0 : index
    %get3A_2 = arith.constant 0 : index
    %get3A_3 = vector.load %arg2[%get3A, %get3A_0, %get3A_1, %get3A_2] : memref<1x1x64x512xf32, #tpu.memory_space<vmem>>, vector<1x1x64x512xf32>
    %get3A_4 = vector.shape_cast %get3A_3 : vector<1x1x64x512xf32> to vector<64x512xf32>
    %iota3A = tpu.iota {dimensions = array<i32: 0>} : vector<8x64xi32>
    %iota3A_5 = tpu.iota {dimensions = array<i32: 1>} : vector<8x64xi32>
    %jit3A = arith.constant 8 : i32
    %div3A = vector.broadcast %jit3A : i32 to vector<8x64xi32>
    %div3A_6 = arith.divsi %iota3A_5, %div3A : vector<8x64xi32>
    %sign3A = arith.constant 0 : i32
    %sign3A_7 = vector.broadcast %sign3A : i32 to vector<8x64xi32>
    %sign3A_8 = arith.cmpi sgt, %iota3A_5, %sign3A_7 : vector<8x64xi32>
    %sign3A_9 = arith.extui %sign3A_8 : vector<8x64xi1> to vector<8x64xi32>
    %sign3A_10 = arith.constant 0 : i32
    %sign3A_11 = vector.broadcast %sign3A_10 : i32 to vector<8x64xi32>
    %sign3A_12 = arith.cmpi slt, %iota3A_5, %sign3A_11 : vector<8x64xi32>
    %sign3A_13 = arith.extui %sign3A_12 : vector<8x64xi1> to vector<8x64xi32>
    %sign3A_14 = arith.subi %sign3A_9, %sign3A_13 : vector<8x64xi32>
    %sign3A_15 = arith.constant 0 : i32
    %sign3A_16 = arith.cmpi sgt, %jit3A, %sign3A_15 : i32
    %sign3A_17 = arith.extui %sign3A_16 : i1 to i32
    %sign3A_18 = arith.constant 0 : i32
    %sign3A_19 = arith.cmpi slt, %jit3A, %sign3A_18 : i32
    %sign3A_20 = arith.extui %sign3A_19 : i1 to i32
    %sign3A_21 = arith.subi %sign3A_17, %sign3A_20 : i32
    %ne3A = vector.broadcast %sign3A_21 : i32 to vector<8x64xi32>
    %ne3A_22 = arith.cmpi ne, %sign3A_14, %ne3A : vector<8x64xi32>
    %rem3A = vector.broadcast %jit3A : i32 to vector<8x64xi32>
    %rem3A_23 = arith.remsi %iota3A_5, %rem3A : vector<8x64xi32>
    %ne3A_24 = arith.constant 0 : i32
    %ne3A_25 = vector.broadcast %ne3A_24 : i32 to vector<8x64xi32>
    %ne3A_26 = arith.cmpi ne, %rem3A_23, %ne3A_25 : vector<8x64xi32>
    %and3A = arith.andi %ne3A_22, %ne3A_26 : vector<8x64xi1>
    %sub3A = arith.constant 1 : i32
    %sub3A_27 = vector.broadcast %sub3A : i32 to vector<8x64xi32>
    %sub3A_28 = arith.subi %div3A_6, %sub3A_27 : vector<8x64xi32>
    %select_n3A = arith.select %and3A, %sub3A_28, %div3A_6 : vector<8x64xi1>, vector<8x64xi32>
    %eq3A = arith.cmpi eq, %select_n3A, %iota3A : vector<8x64xi32>
    %convert_element_type3A = arith.extui %eq3A : vector<8x64xi1> to vector<8x64xi32>
    %convert_element_type3A_29 = arith.sitofp %convert_element_type3A : vector<8x64xi32> to vector<8x64xf32>
    %iota3A_30 = tpu.iota {dimensions = array<i32: 0>} : vector<512x64xi32>
    %iota3A_31 = tpu.iota {dimensions = array<i32: 1>} : vector<512x64xi32>
    %jit3A_32 = arith.constant 8 : i32
    %div3A_33 = vector.broadcast %jit3A_32 : i32 to vector<512x64xi32>
    %div3A_34 = arith.divsi %iota3A_30, %div3A_33 : vector<512x64xi32>
    %sign3A_35 = arith.constant 0 : i32
    %sign3A_36 = vector.broadcast %sign3A_35 : i32 to vector<512x64xi32>
    %sign3A_37 = arith.cmpi sgt, %iota3A_30, %sign3A_36 : vector<512x64xi32>
    %sign3A_38 = arith.extui %sign3A_37 : vector<512x64xi1> to vector<512x64xi32>
    %sign3A_39 = arith.constant 0 : i32
    %sign3A_40 = vector.broadcast %sign3A_39 : i32 to vector<512x64xi32>
    %sign3A_41 = arith.cmpi slt, %iota3A_30, %sign3A_40 : vector<512x64xi32>
    %sign3A_42 = arith.extui %sign3A_41 : vector<512x64xi1> to vector<512x64xi32>
    %sign3A_43 = arith.subi %sign3A_38, %sign3A_42 : vector<512x64xi32>
    %sign3A_44 = arith.constant 0 : i32
    %sign3A_45 = arith.cmpi sgt, %jit3A_32, %sign3A_44 : i32
    %sign3A_46 = arith.extui %sign3A_45 : i1 to i32
    %sign3A_47 = arith.constant 0 : i32
    %sign3A_48 = arith.cmpi slt, %jit3A_32, %sign3A_47 : i32
    %sign3A_49 = arith.extui %sign3A_48 : i1 to i32
    %sign3A_50 = arith.subi %sign3A_46, %sign3A_49 : i32
    %ne3A_51 = vector.broadcast %sign3A_50 : i32 to vector<512x64xi32>
    %ne3A_52 = arith.cmpi ne, %sign3A_43, %ne3A_51 : vector<512x64xi32>
    %rem3A_53 = vector.broadcast %jit3A_32 : i32 to vector<512x64xi32>
    %rem3A_54 = arith.remsi %iota3A_30, %rem3A_53 : vector<512x64xi32>
    %ne3A_55 = arith.constant 0 : i32
    %ne3A_56 = vector.broadcast %ne3A_55 : i32 to vector<512x64xi32>
    %ne3A_57 = arith.cmpi ne, %rem3A_54, %ne3A_56 : vector<512x64xi32>
    %and3A_58 = arith.andi %ne3A_52, %ne3A_57 : vector<512x64xi1>
    %sub3A_59 = arith.constant 1 : i32
    %sub3A_60 = vector.broadcast %sub3A_59 : i32 to vector<512x64xi32>
    %sub3A_61 = arith.subi %div3A_34, %sub3A_60 : vector<512x64xi32>
    %select_n3A_62 = arith.select %and3A_58, %sub3A_61, %div3A_34 : vector<512x64xi1>, vector<512x64xi32>
    %eq3A_63 = arith.cmpi eq, %select_n3A_62, %iota3A_31 : vector<512x64xi32>
    %convert_element_type3A_64 = arith.extui %eq3A_63 : vector<512x64xi1> to vector<512x64xi32>
    %convert_element_type3A_65 = arith.sitofp %convert_element_type3A_64 : vector<512x64xi32> to vector<512x64xf32>
    %dot_general3A = arith.constant dense<0.000000e+00> : vector<8x512xf32>
    %dot_general3A_66 = tpu.matmul %convert_element_type3A_29, %get3A_4, %dot_general3A {dimension_numbers = #tpu.dot_dimension_numbers<[1], [0], [0], [1], [0, 0, 1, 1], [], []>, transpose_lhs_hint = false} : vector<8x64xf32>, vector<64x512xf32>, vector<8x512xf32> -> vector<8x512xf32>
    %dot_general3A_67 = arith.constant dense<0.000000e+00> : vector<8x64xf32>
    %dot_general3A_68 = tpu.matmul %dot_general3A_66, %convert_element_type3A_65, %dot_general3A_67 {dimension_numbers = #tpu.dot_dimension_numbers<[1], [0], [0], [1], [0, 0, 1, 1], [], []>, transpose_lhs_hint = false} : vector<8x512xf32>, vector<512x64xf32>, vector<8x64xf32> -> vector<8x64xf32>
    %gt3A = arith.constant 0.000000e+00 : f32
    %gt3A_69 = vector.broadcast %gt3A : f32 to vector<8x64xf32>
    %gt3A_70 = arith.cmpf ogt, %dot_general3A_68, %gt3A_69 : vector<8x64xf32>
    %broadcast_in_dim3A = vector.shape_cast %gt3A_70 : vector<8x64xi1> to vector<1x8x64xi1>
    %get3A_71 = arith.constant 0 : index
    %get3A_72 = arith.constant 0 : index
    %get3A_73 = vector.load %arg4[%get3A_71, %get3A_72] : memref<512x128xf32, #tpu.memory_space<vmem>>, vector<512x128xf32>
    %reshape3A = vector.shape_cast %get3A_73 : vector<512x128xf32> to vector<8x64x128xf32>
    %transpose3A = tpu.transpose %reshape3A, [2, 0, 1] : vector<8x64x128xf32> -> vector<128x8x64xf32>
    %get3A_74 = arith.constant 0 : index
    %get3A_75 = arith.constant 0 : index
    %get3A_76 = arith.constant 0 : index
    %get3A_77 = arith.constant 0 : index
    %get3A_78 = vector.load %arg3[%get3A_74, %get3A_75, %get3A_76, %get3A_77] : memref<1x128x8x64xf32, #tpu.memory_space<vmem>>, vector<1x128x8x64xf32>
    %get3A_79 = vector.shape_cast %get3A_78 : vector<1x128x8x64xf32> to vector<128x8x64xf32>
    %broadcast_in_dim3A_80 = vector.shape_cast %broadcast_in_dim3A : vector<1x8x64xi1> to vector<1x8x64xi1>
    %broadcast_in_dim3A_81 = vector.broadcast %broadcast_in_dim3A_80 : vector<1x8x64xi1> to vector<128x8x64xi1>
    %select_n3A_82 = arith.select %broadcast_in_dim3A_81, %transpose3A, %get3A_79 : vector<128x8x64xi1>, vector<128x8x64xf32>
    %swap3A = arith.constant 0 : index
    %swap3A_83 = arith.constant 0 : index
    %swap3A_84 = arith.constant 0 : index
    %swap3A_85 = arith.constant 0 : index
    %swap3A_86 = vector.load %arg5[%swap3A, %swap3A_83, %swap3A_84, %swap3A_85] : memref<1x128x8x64xf32, #tpu.memory_space<vmem>>, vector<1x128x8x64xf32>
    %swap3A_87 = vector.shape_cast %swap3A_86 : vector<1x128x8x64xf32> to vector<128x8x64xf32>
    %swap3A_88 = vector.shape_cast %select_n3A_82 : vector<128x8x64xf32> to vector<1x128x8x64xf32>
    tpu.vector_store %arg5[%swap3A, %swap3A_83, %swap3A_84, %swap3A_85], %swap3A_88 {strides = array<i32>} : memref<1x128x8x64xf32, #tpu.memory_space<vmem>>, vector<1x128x8x64xf32>,
    return
  }
  func.func @transform_0(%arg0: i32, %arg1: i32) -> (i32, i32, i32, i32) {
    %c0_i32 = arith.constant 0 : i32
    %c0_i32_0 = arith.constant 0 : i32
    %c0_i32_1 = arith.constant 0 : i32
    return %arg0, %c0_i32, %arg1, %c0_i32_0 : i32, i32, i32, i32
  }
  func.func @transform_1(%arg0: i32, %arg1: i32) -> (i32, i32, i32, i32) {
    %c0_i32 = arith.constant 0 : i32
    %c0_i32_0 = arith.constant 0 : i32
    %c0_i32_1 = arith.constant 0 : i32
    return %arg0, %c0_i32, %arg1, %c0_i32_0 : i32, i32, i32, i32
  }
  func.func @transform_2(%arg0: i32, %arg1: i32) -> (i32, i32) {
    %mul3A = arith.constant 8 : i32
    %mul3A_0 = arith.muli %arg0, %mul3A : i32
    %add3A = arith.addi %mul3A_0, %arg1 : i32
    %c0_i32 = arith.constant 0 : i32
    %c0_i32_1 = arith.constant 0 : i32
    return %add3A, %c0_i32 : i32, i32
  }
  func.func @transform_3(%arg0: i32, %arg1: i32) -> (i32, i32, i32, i32) {
    %c0_i32 = arith.constant 0 : i32
    %c0_i32_0 = arith.constant 0 : i32
    %c0_i32_1 = arith.constant 0 : i32
    return %arg0, %c0_i32, %arg1, %c0_i32_0 : i32, i32, i32, i32
  }
}

module attributes {stable_mosaic.version = 14 : i64} {
  func.func @body(%arg0: i32, %arg1: i32, %arg2: memref<1x1x32x512xf32, #tpu.memory_space<vmem>>, %arg3: memref<1x128x8x128xf32, #tpu.memory_space<vmem>>, %arg4: memref<1024x128xf32, #tpu.memory_space<vmem>>, %arg5: memref<1x128x8x128xf32, #tpu.memory_space<vmem>>) attributes {dimension_semantics = [#tpu.dimension_semantics<arbitrary>, #tpu.dimension_semantics<arbitrary>], iteration_bounds = array<i64: 8, 16>, scalar_prefetch = 0 : i64, scratch_operands = 0 : i64, tpu.core_type = #tpu.core_type<tc>, window_params = [{transform_indices = @transform_0, window_bounds = array<i64: 1, 1, 32, 512>}, {transform_indices = @transform_1, window_bounds = array<i64: 1, 128, 8, 128>}, {transform_indices = @transform_2, window_bounds = array<i64: 1024, 128>}, {transform_indices = @transform_3, window_bounds = array<i64: 1, 128, 8, 128>}]} {
    %get3A = arith.constant 0 : index
    %get3A_0 = arith.constant 0 : index
    %get3A_1 = arith.constant 0 : index
    %get3A_2 = arith.constant 0 : index
    %get3A_3 = vector.load %arg2[%get3A, %get3A_0, %get3A_1, %get3A_2] : memref<1x1x32x512xf32, #tpu.memory_space<vmem>>, vector<1x1x32x512xf32>
    %get3A_4 = vector.shape_cast %get3A_3 : vector<1x1x32x512xf32> to vector<32x512xf32>
    %iota3A = tpu.iota {dimensions = array<i32: 0>} : vector<8x32xi32>
    %iota3A_5 = tpu.iota {dimensions = array<i32: 1>} : vector<8x32xi32>
    %jit3A = arith.constant 4 : i32
    %div3A = vector.broadcast %jit3A : i32 to vector<8x32xi32>
    %div3A_6 = arith.divsi %iota3A_5, %div3A : vector<8x32xi32>
    %sign3A = arith.constant 0 : i32
    %sign3A_7 = vector.broadcast %sign3A : i32 to vector<8x32xi32>
    %sign3A_8 = arith.cmpi sgt, %iota3A_5, %sign3A_7 : vector<8x32xi32>
    %sign3A_9 = arith.extui %sign3A_8 : vector<8x32xi1> to vector<8x32xi32>
    %sign3A_10 = arith.constant 0 : i32
    %sign3A_11 = vector.broadcast %sign3A_10 : i32 to vector<8x32xi32>
    %sign3A_12 = arith.cmpi slt, %iota3A_5, %sign3A_11 : vector<8x32xi32>
    %sign3A_13 = arith.extui %sign3A_12 : vector<8x32xi1> to vector<8x32xi32>
    %sign3A_14 = arith.subi %sign3A_9, %sign3A_13 : vector<8x32xi32>
    %sign3A_15 = arith.constant 0 : i32
    %sign3A_16 = arith.cmpi sgt, %jit3A, %sign3A_15 : i32
    %sign3A_17 = arith.extui %sign3A_16 : i1 to i32
    %sign3A_18 = arith.constant 0 : i32
    %sign3A_19 = arith.cmpi slt, %jit3A, %sign3A_18 : i32
    %sign3A_20 = arith.extui %sign3A_19 : i1 to i32
    %sign3A_21 = arith.subi %sign3A_17, %sign3A_20 : i32
    %ne3A = vector.broadcast %sign3A_21 : i32 to vector<8x32xi32>
    %ne3A_22 = arith.cmpi ne, %sign3A_14, %ne3A : vector<8x32xi32>
    %rem3A = vector.broadcast %jit3A : i32 to vector<8x32xi32>
    %rem3A_23 = arith.remsi %iota3A_5, %rem3A : vector<8x32xi32>
    %ne3A_24 = arith.constant 0 : i32
    %ne3A_25 = vector.broadcast %ne3A_24 : i32 to vector<8x32xi32>
    %ne3A_26 = arith.cmpi ne, %rem3A_23, %ne3A_25 : vector<8x32xi32>
    %and3A = arith.andi %ne3A_22, %ne3A_26 : vector<8x32xi1>
    %sub3A = arith.constant 1 : i32
    %sub3A_27 = vector.broadcast %sub3A : i32 to vector<8x32xi32>
    %sub3A_28 = arith.subi %div3A_6, %sub3A_27 : vector<8x32xi32>
    %select_n3A = arith.select %and3A, %sub3A_28, %div3A_6 : vector<8x32xi1>, vector<8x32xi32>
    %eq3A = arith.cmpi eq, %select_n3A, %iota3A : vector<8x32xi32>
    %convert_element_type3A = arith.extui %eq3A : vector<8x32xi1> to vector<8x32xi32>
    %convert_element_type3A_29 = arith.sitofp %convert_element_type3A : vector<8x32xi32> to vector<8x32xf32>
    %iota3A_30 = tpu.iota {dimensions = array<i32: 0>} : vector<512x128xi32>
    %iota3A_31 = tpu.iota {dimensions = array<i32: 1>} : vector<512x128xi32>
    %jit3A_32 = arith.constant 4 : i32
    %div3A_33 = vector.broadcast %jit3A_32 : i32 to vector<512x128xi32>
    %div3A_34 = arith.divsi %iota3A_30, %div3A_33 : vector<512x128xi32>
    %sign3A_35 = arith.constant 0 : i32
    %sign3A_36 = vector.broadcast %sign3A_35 : i32 to vector<512x128xi32>
    %sign3A_37 = arith.cmpi sgt, %iota3A_30, %sign3A_36 : vector<512x128xi32>
    %sign3A_38 = arith.extui %sign3A_37 : vector<512x128xi1> to vector<512x128xi32>
    %sign3A_39 = arith.constant 0 : i32
    %sign3A_40 = vector.broadcast %sign3A_39 : i32 to vector<512x128xi32>
    %sign3A_41 = arith.cmpi slt, %iota3A_30, %sign3A_40 : vector<512x128xi32>
    %sign3A_42 = arith.extui %sign3A_41 : vector<512x128xi1> to vector<512x128xi32>
    %sign3A_43 = arith.subi %sign3A_38, %sign3A_42 : vector<512x128xi32>
    %sign3A_44 = arith.constant 0 : i32
    %sign3A_45 = arith.cmpi sgt, %jit3A_32, %sign3A_44 : i32
    %sign3A_46 = arith.extui %sign3A_45 : i1 to i32
    %sign3A_47 = arith.constant 0 : i32
    %sign3A_48 = arith.cmpi slt, %jit3A_32, %sign3A_47 : i32
    %sign3A_49 = arith.extui %sign3A_48 : i1 to i32
    %sign3A_50 = arith.subi %sign3A_46, %sign3A_49 : i32
    %ne3A_51 = vector.broadcast %sign3A_50 : i32 to vector<512x128xi32>
    %ne3A_52 = arith.cmpi ne, %sign3A_43, %ne3A_51 : vector<512x128xi32>
    %rem3A_53 = vector.broadcast %jit3A_32 : i32 to vector<512x128xi32>
    %rem3A_54 = arith.remsi %iota3A_30, %rem3A_53 : vector<512x128xi32>
    %ne3A_55 = arith.constant 0 : i32
    %ne3A_56 = vector.broadcast %ne3A_55 : i32 to vector<512x128xi32>
    %ne3A_57 = arith.cmpi ne, %rem3A_54, %ne3A_56 : vector<512x128xi32>
    %and3A_58 = arith.andi %ne3A_52, %ne3A_57 : vector<512x128xi1>
    %sub3A_59 = arith.constant 1 : i32
    %sub3A_60 = vector.broadcast %sub3A_59 : i32 to vector<512x128xi32>
    %sub3A_61 = arith.subi %div3A_34, %sub3A_60 : vector<512x128xi32>
    %select_n3A_62 = arith.select %and3A_58, %sub3A_61, %div3A_34 : vector<512x128xi1>, vector<512x128xi32>
    %eq3A_63 = arith.cmpi eq, %select_n3A_62, %iota3A_31 : vector<512x128xi32>
    %convert_element_type3A_64 = arith.extui %eq3A_63 : vector<512x128xi1> to vector<512x128xi32>
    %convert_element_type3A_65 = arith.sitofp %convert_element_type3A_64 : vector<512x128xi32> to vector<512x128xf32>
    %dot_general3A = arith.constant dense<0.000000e+00> : vector<8x512xf32>
    %dot_general3A_66 = tpu.matmul %convert_element_type3A_29, %get3A_4, %dot_general3A {dimension_numbers = #tpu.dot_dimension_numbers<[1], [0], [0], [1], [0, 0, 1, 1], [], []>, transpose_lhs_hint = false} : vector<8x32xf32>, vector<32x512xf32>, vector<8x512xf32> -> vector<8x512xf32>
    %dot_general3A_67 = arith.constant dense<0.000000e+00> : vector<8x128xf32>
    %dot_general3A_68 = tpu.matmul %dot_general3A_66, %convert_element_type3A_65, %dot_general3A_67 {dimension_numbers = #tpu.dot_dimension_numbers<[1], [0], [0], [1], [0, 0, 1, 1], [], []>, transpose_lhs_hint = false} : vector<8x512xf32>, vector<512x128xf32>, vector<8x128xf32> -> vector<8x128xf32>
    %gt3A = arith.constant 0.000000e+00 : f32
    %gt3A_69 = vector.broadcast %gt3A : f32 to vector<8x128xf32>
    %gt3A_70 = arith.cmpf ogt, %dot_general3A_68, %gt3A_69 : vector<8x128xf32>
    %broadcast_in_dim3A = vector.shape_cast %gt3A_70 : vector<8x128xi1> to vector<1x8x128xi1>
    %get3A_71 = arith.constant 0 : index
    %get3A_72 = arith.constant 0 : index
    %get3A_73 = vector.load %arg4[%get3A_71, %get3A_72] : memref<1024x128xf32, #tpu.memory_space<vmem>>, vector<1024x128xf32>
    %reshape3A = vector.shape_cast %get3A_73 : vector<1024x128xf32> to vector<8x128x128xf32>
    %transpose3A = tpu.transpose %reshape3A, [2, 0, 1] : vector<8x128x128xf32> -> vector<128x8x128xf32>
    %get3A_74 = arith.constant 0 : index
    %get3A_75 = arith.constant 0 : index
    %get3A_76 = arith.constant 0 : index
    %get3A_77 = arith.constant 0 : index
    %get3A_78 = vector.load %arg3[%get3A_74, %get3A_75, %get3A_76, %get3A_77] : memref<1x128x8x128xf32, #tpu.memory_space<vmem>>, vector<1x128x8x128xf32>
    %get3A_79 = vector.shape_cast %get3A_78 : vector<1x128x8x128xf32> to vector<128x8x128xf32>
    %broadcast_in_dim3A_80 = vector.shape_cast %broadcast_in_dim3A : vector<1x8x128xi1> to vector<1x8x128xi1>
    %broadcast_in_dim3A_81 = vector.broadcast %broadcast_in_dim3A_80 : vector<1x8x128xi1> to vector<128x8x128xi1>
    %select_n3A_82 = arith.select %broadcast_in_dim3A_81, %transpose3A, %get3A_79 : vector<128x8x128xi1>, vector<128x8x128xf32>
    %swap3A = arith.constant 0 : index
    %swap3A_83 = arith.constant 0 : index
    %swap3A_84 = arith.constant 0 : index
    %swap3A_85 = arith.constant 0 : index
    %swap3A_86 = vector.load %arg5[%swap3A, %swap3A_83, %swap3A_84, %swap3A_85] : memref<1x128x8x128xf32, #tpu.memory_space<vmem>>, vector<1x128x8x128xf32>
    %swap3A_87 = vector.shape_cast %swap3A_86 : vector<1x128x8x128xf32> to vector<128x8x128xf32>
    %swap3A_88 = vector.shape_cast %select_n3A_82 : vector<128x8x128xf32> to vector<1x128x8x128xf32>
    tpu.vector_store %arg5[%swap3A, %swap3A_83, %swap3A_84, %swap3A_85], %swap3A_88 {strides = array<i32>} : memref<1x128x8x128xf32, #tpu.memory_space<vmem>>, vector<1x128x8x128xf32>,
    return
  }
  func.func @transform_0(%arg0: i32, %arg1: i32) -> (i32, i32, i32, i32) {
    %c0_i32 = arith.constant 0 : i32
    %c0_i32_0 = arith.constant 0 : i32
    %c0_i32_1 = arith.constant 0 : i32
    return %arg0, %c0_i32, %arg1, %c0_i32_0 : i32, i32, i32, i32
  }
  func.func @transform_1(%arg0: i32, %arg1: i32) -> (i32, i32, i32, i32) {
    %c0_i32 = arith.constant 0 : i32
    %c0_i32_0 = arith.constant 0 : i32
    %c0_i32_1 = arith.constant 0 : i32
    return %arg0, %c0_i32, %arg1, %c0_i32_0 : i32, i32, i32, i32
  }
  func.func @transform_2(%arg0: i32, %arg1: i32) -> (i32, i32) {
    %mul3A = arith.constant 16 : i32
    %mul3A_0 = arith.muli %arg0, %mul3A : i32
    %add3A = arith.addi %mul3A_0, %arg1 : i32
    %c0_i32 = arith.constant 0 : i32
    %c0_i32_1 = arith.constant 0 : i32
    return %add3A, %c0_i32 : i32, i32
  }
  func.func @transform_3(%arg0: i32, %arg1: i32) -> (i32, i32, i32, i32) {
    %c0_i32 = arith.constant 0 : i32
    %c0_i32_0 = arith.constant 0 : i32
    %c0_i32_1 = arith.constant 0 : i32
    return %arg0, %c0_i32, %arg1, %c0_i32_0 : i32, i32, i32, i32
  }
}

</mosaic_0001>

<sc_bundles>
// kernel: kernel.6.cloned.1.call-start
scs
__scs_entry_jumppad:
0x0: {  	(pc) =	sbr.rel $0x88, $3  }
0x1: {  	(tag) =	ssettag $0x0;
	lr =	simm.s32 $0x1  }
0x2: {  	[smem:$0x3F9C] =	sst lr;
	_ =	strace $0xD0000000  }
0x3: {  	_ = 	snop  }
0x4: {  	_ = 	snop  }
0x5: {  	_ = 	snop  }
0x6: {  	_ = 	snop  }
0x7: {  	_ = 	snop  }
__scs_overlays_trampoline_lowered:
0x8: {  	[smem:$0x3FAB] =	sst s0  }
0x9: {  	[smem:$0x3FAC] =	sst s1  }
0xa: {  	[smem:$0x3FAD] =	sst s2  }
0xb: {  	[smem:$0x3FAE] =	sst s3  }
0xc: {  	[smem:$0x3FAF] =	sst s4  }
0xd: {  	[smem:$0x3FB0] =	sst s5  }
0xe: {  	[smem:$0x3FB1] =	sst s6  }
0xf: {  	[smem:$0x3FB2] =	sst s7  }
0x10: {  	[smem:$0x3FB3] =	sst s8  }
0x11: {  	[smem:$0x3FB4] =	sst s9;
	s0 =	simm.s32 @!p0 $0x0  }
0x12: {  	s1 =	sld [smem:$0x3F9A];
	s0 =	simm.s32 @p0 $0x1  }
0x13: {  	[smem:$0x3FB5] =	sst s0;
	s0 =	simm.s32 @!p1 $0x0  }
0x14: {  	s2 =	sld [smem:$0x3F99];
	s0 =	simm.s32 @p1 $0x1  }
0x15: {  	[smem:$0x3FB6] =	sst s0;
	s0 =	simm.s32 @!p2 $0x0  }
0x16: {  	s3 =	sld [smem:$0x3FDB];
	s0 =	simm.s32 @p2 $0x1  }
0x17: {  	s4 =	simm.s32 $0x1BF5;
	[smem:$0x3FB8] =	sst s0  }
0x18: {  	s0 =	sld [smem:$0x3F9B];
	_ =	swait.ge [sflag:s4], $0x0  }
0x19: {  	s7 =	sld [smem:$0x3F9C]  }
0x1a: {  	s8 =	sadd.s32 $0xFFFFE003, lr  }
0x1b: {  	s9 =	sadd.s32 $0xFFFFFEF7, lr;
	s5 =	simm.s32 $0xFFFFFFFF;
	p2 =	slt.u32 s8, $0xFFFFF086  }
0x1c: {  	p1 =	slt.u32 s9, $0xF7A;
	s5 =	simm.s32 @!p2 $0x0  }
0x1d: {  	s5 =	simm.s32 @p1 $0x1;
	p0 =	seq.s32 s7, s2  }
0x1e: {  	s7 =	smul.u32 @!p0 $0xF7A, s2;
	p2 =	seq.s32 @!p0 s5, $0x0  }
0x1f: {  	s9 =	smul.u32 $0xF7A, s1;
	s8 =	simm.s32 @!p0 $0x1BF5;
	p2 =	por !p2, p0  }
0x20: {  	[sflag:s8] =	ssyncset.s32 @!p0 $0xFFFFF086;
	s6 =	sadd.s32 @!p0 s3, s7;
	s7 =	simm.s32 @!p0 $0x108  }
0x21: {  	s3 =	sadd.s32 s3, s9;
	s6 =	sadd.s32 @!p0 $0x88, s6;
	s7 =	simm.s32 @p2 $0x1082  }
0x22: {  	[simem:s7], [sflag:s8] =	dma.local @!p0 [hbm:s6], $0xF7A  }
0x23: {  	s9 =	sor.u32 $0xD0000000, s2;
	s6 =	simm.s32 $0x108;
	_ =	swait.ge @!p0 [sflag:s8], $0x0  }
0x24: {  	s3 =	sadd.s32 $0x88, s3;
	s6 =	simm.s32 @!p1 $0x1082;
	[sflag:s4] =	ssyncset.s32 $0xFFFFF086  }
0x25: {  	[simem:s6], [sflag:s4] =	dma.local [hbm:s3], $0xF7A  }
0x26: {  	[smem:$0x3F9C] =	sst s1;
	(tag) =	ssettag s2;
	_ =	strace s9  }
0x27: {  	s1 =	sld [smem:$0x3FAC]  }
0x28: {  	s2 =	sld [smem:$0x3FAD]  }
0x29: {  	s4 =	sld [smem:$0x3FAF]  }
0x2a: {  	p0 =	seq.s32 s5, $0x0;
	s5 =	sld [smem:$0x3FB0]  }
0x2b: {  	s6 =	sld [smem:$0x3FB1]  }
0x2c: {  	s7 =	sld [smem:$0x3FB2]  }
0x2d: {  	s3 =	simm.s32 $0x108;
	s8 =	sld [smem:$0x3FB3]  }
0x2e: {  	s3 =	simm.s32 @!p0 $0x1082;
	s9 =	sld [smem:$0x3FB4]  }
0x2f: {  	lr =	sadd.s32 s0, s3;
	s0 =	sld [smem:$0x3FAB]  }
0x30: {  	s3 =	sld [smem:$0x3FAE]  }
0x31: {  	[smem:$0x3FB7] =	sst s10  }
0x32: {  	s10 =	sld [smem:$0x3FB5];
	_ =	sdelay $0x3  }
0x33: {  	p0 =	seq.s32 s10, $0x1;
	s10 =	sld [smem:$0x3FB7];
	_ =	sdelay $0x3  }
0x34: {  	[smem:$0x3FB7] =	sst s10  }
0x35: {  	s10 =	sld [smem:$0x3FB6];
	_ =	sdelay $0x3  }
0x36: {  	p1 =	seq.s32 s10, $0x1;
	s10 =	sld [smem:$0x3FB7];
	_ =	sdelay $0x3  }
0x37: {  	[smem:$0x3FB7] =	sst s10  }
0x38: {  	s10 =	sld [smem:$0x3FB8]  }
0x39: {  	_ = 	snop;
	(pc) =	sbr.ind lr, $3  }
0x3a: {  	_ = 	snop  }
0x3b: {  	_ = 	snop  }
0x3c: {  	p2 =	seq.s32 s10, $0x1;
	s10 =	sld [smem:$0x3FB7]  }
0x3d: {  	_ =	shalt  }
0x3e: {  	_ =	shalt  }
0x3f: {  	_ =	shalt  }
0x40: {  	_ =	shalt  }
0x41: {  	_ =	shalt  }
0x42: {  	_ =	shalt  }
0x43: {  	_ =	shalt  }
0x44: {  	_ =	shalt  }
0x45: {  	_ =	shalt  }
0x46: {  	_ =	shalt  }
0x47: {  	_ =	shalt  }
0x48: {  	_ =	shalt  }
0x49: {  	_ =	shalt  }
0x4a: {  	_ =	shalt  }
0x4b: {  	_ =	shalt  }
0x4c: {  	_ =	shalt  }
0x4d: {  	_ =	shalt  }
0x4e: {  	_ =	shalt  }
0x4f: {  	_ =	shalt  }
0x50: {  	_ =	shalt  }
0x51: {  	_ =	shalt  }
0x52: {  	_ =	shalt  }
0x53: {  	_ =	shalt  }
0x54: {  	_ =	shalt  }
0x55: {  	_ =	shalt  }
0x56: {  	_ =	shalt  }
0x57: {  	_ =	shalt  }
0x58: {  	_ =	shalt  }
0x59: {  	_ =	shalt  }
0x5a: {  	_ =	shalt  }
0x5b: {  	_ =	shalt  }
0x5c: {  	_ =	shalt  }
0x5d: {  	_ =	shalt  }
0x5e: {  	_ =	shalt  }
0x5f: {  	_ =	shalt  }
0x60: {  	_ =	shalt  }
0x61: {  	_ =	shalt  }
0x62: {  	_ =	shalt  }
0x63: {  	_ =	shalt  }
0x64: {  	_ =	shalt  }
0x65: {  	_ =	shalt  }
0x66: {  	_ =	shalt  }
0x67: {  	_ =	shalt  }
0x68: {  	_ =	shalt  }
0x69: {  	_ =	shalt  }
0x6a: {  	_ =	shalt  }
0x6b: {  	_ =	shalt  }
0x6c: {  	_ =	shalt  }
0x6d: {  	_ =	shalt  }
0x6e: {  	_ =	shalt  }
0x6f: {  	_ =	shalt  }
0x70: {  	_ =	shalt  }
0x71: {  	_ =	shalt  }
0x72: {  	_ =	shalt  }
0x73: {  	_ =	shalt  }
0x74: {  	_ =	shalt  }
0x75: {  	_ =	shalt  }
0x76: {  	_ =	shalt  }
0x77: {  	_ =	shalt  }
0x78: {  	_ =	shalt  }
0x79: {  	_ =	shalt  }
0x7a: {  	_ =	shalt  }
0x7b: {  	_ =	shalt  }
0x7c: {  	_ =	shalt  }
0x7d: {  	_ =	shalt  }
0x7e: {  	_ =	shalt  }
0x7f: {  	_ =	shalt  }
0x80: {  	_ =	shalt  }
0x81: {  	_ =	shalt  }
0x82: {  	_ =	shalt  }
0x83: {  	_ =	shalt  }
0x84: {  	_ =	shalt  }
0x85: {  	_ =	shalt  }
0x86: {  	_ =	shalt  }
0x87: {  	_ =	shalt  }
.Lfunc_end0:
.L_simem_size_0:
called_computation_lowered:
.L_overlay_start_0:
0x88: {  	s2 =	sld [smem:$0x3FD9]  }
0x89: {  	s3 =	sld [smem:$0x3FFE];
	_ =	sdelay $0x1  }
0x8a: {  	s1 =	srdreg.scid  }
0x8b: {  	s0 =	sand.u32 $0x1, s1  }
0x8c: {  	s17 =	sshll.u32 s0, $0xA;
	s2 =	sadd.s32 s3, s2  }
0x8d: {  	s2 =	sadd.s32 s2, s17  }
0x8e: {  	[smem:$0x3FC3] =	sst s2  }
0x8f: {  	_ = 	snop  }
0x90: {  	s18 =	sld [smem:$0x3FC6];
	(tm) =	ssettm $0x1  }
0x91: {  	s19 =	sld [smem:$0x3FFB];
	_ =	sdelay $0x3  }
0x92: {  	_ =	strace s19  }
0x93: {  	s2 =	sld [smem:$0x3FFC];
	_ =	sdelay $0x3  }
0x94: {  	_ =	strace s2  }
0x95: {  	s2 =	sld [smem:$0x3FFD];
	_ =	sdelay $0x3  }
0x96: {  	_ =	strace s2  }
0x97: {  	_ =	strace $0x8FFFFFFF  }
0x98: {  	s20 =	sld [smem:$0x3FDB];
	_ =	sdelay $0x1  }
0x99: {  	s4 =	simm.s32 $_scs_section_size  }
0x9a: {  	s5 =	simm.s32 $_size__tile_overlayer_lowered;
	s6 =	simm.s32 $_tile_overlayer_lowered  }
0x9b: {  	s7 =	simm.s32 $0x1BFF;
	s21 =	sshll.u32 s6, $0x1;
	s4 =	sadd.s32 s4, s20  }
0x9c: {  	s22 =	simm.s32 $0x0;
	s5 =	sshll.u32 s5, $0x1;
	s6 =	sadd.s32 s21, s4  }
0x9d: {  	[timem:s22], [sflag:s7] =	dma.local [hbm:s6], s5  }
0x9e: {  	_ =	swait.ge [sflag:s7], s5  }
0x9f: {  	s5 =	ssub.s32 $0x0, s5;
	[sflag:s7] =	ssyncset.done $0x0  }
0xa0: {  	[sflag:s7] =	ssyncadd.s32 s5;
	_ =	sdelay $0x1  }
0xa1: {  	s23 =	simm.s32 $0x1B8B  }
0xa2: {  	_ =	swait.ge [sflag:s23], $0x1  }
0xa3: {  	[sflag:s23] =	ssyncset.done $0x0  }
0xa4: {  	[sflag:s23] =	ssyncadd.s32 $0xFFFFFFFF  }
0xa5: {  	s5 =	sld [smem:$0x0]  }
0xa6: {  	s6 =	sand.u32 $0xFFFFFFFE, s1  }
0xa7: {  	p0 =	sne.s32 s1, s6  }
0xa8: {  	s6 =	sshll.u32 @p0 s6, $0xE  }
0xa9: {  	s6 =	sadd.s32 @p0 $0x11B8D, s6;
	s7 =	sshll.u32 @p0 s5, $0x11  }
0xaa: {  	s6 =	sor.u32 @p0 s7, s6  }
0xab: {  	[sflag:s6] =	ssyncadd.remote.s32 @p0 $0x1;
	_ =	sdelay $0x1  }
0xac: {  	s6 =	simm.s32 @p0 $0x1B8D  }
0xad: {  	_ =	swait.eq @p0 [sflag:s6], $0x1  }
0xae: {  	[sflag:s6] =	ssyncadd.s32 @p0 $0xFFFFFFFF  }
0xaf: {  	s7 =	sshll.u32 @!p0 s1, $0xE  }
0xb0: {  	s7 =	sor.u32 @!p0 $0x4000, s7;
	s6 =	simm.s32 @!p0 $0x1B8D  }
0xb1: {  	s5 =	sshll.u32 @!p0 s5, $0x11;
	s7 =	sadd.s32 @!p0 $0x11B8D, s7;
	_ =	swait.eq @!p0 [sflag:s6], $0x1  }
0xb2: {  	s5 =	sor.u32 @!p0 s5, s7;
	[sflag:s6] =	ssyncadd.s32 @!p0 $0xFFFFFFFF  }
0xb3: {  	s25 =	simm.s32 $0x1B8E;
	s24 =	sld [smem:$0x3FFE];
	[sflag:s5] =	ssyncadd.remote.s32 @!p0 $0x1  }
0xb4: {  	s26 =	simm.s32 $execute0_lowered;
	[smem:$0x3FD2] =	sst s25  }
0xb5: {  	s6 =	sshll.u32 s26, $0x1;
	_ =	strace $0x80000049;
	[dreg:$0x1] =	wrdreg $0xFFFFFFFF  }
0xb6: {  	s28 =	simm.s32 $_size_execute0_lowered;
	s4 =	sadd.s32 s4, s6;
	[dreg:$0x0] =	wrdreg $0x0  }
0xb7: {  	s6 =	sshll.u32 s28, $0x1;
	[dreg:$0x2] =	wrdreg s4  }
0xb8: {  	[dreg:$0x3] =	wrdreg s6  }
0xb9: {  	[dreg:$0x4] =	wrdreg $0xC0  }
0xba: {  	_ =	task [dreg:s22], $0x5FFFF  }
0xbb: {  	[dreg:$0x1] =	wrdreg $0xFFFFFFFF  }
0xbc: {  	[dreg:$0x0] =	wrdreg $0x60  }
0xbd: {  	[dreg:$0x2] =	wrdreg s18  }
0xbe: {  	[dreg:$0x3] =	wrdreg s24  }
0xbf: {  	[dreg:$0x4] =	wrdreg $0x9  }
0xc0: {  	_ =	task.clear_ibuf [dreg:s22], $0x5FFFF;
	_ =	strace $0x90000049  }
0xc1: {  	s29 =	simm.s32 $0x9;
	_ =	strace $0x8000004B  }
0xc2: {  	_ =	swait.ge [sflag:s29], $0x1  }
0xc3: {  	[sflag:s29] =	ssyncadd.s32 $0xFFFFFFFF  }
0xc4: {  	_ =	strace $0x9000004B  }
0xc5: {  	_ =	sfence  }
0xc6: {  	s30 =	sld [smem:$0x0];
	_ =	sdelay $0x2  }
0xc7: {  	s31 =	sshll.u32 s1, $0xD;
	s1 =	sshrl.u32 s1, $0x2  }
0xc8: {  	s4 =	sand.u32 $0x4000, s31;
	s1 =	sadd.s32 s1, s30  }
0xc9: {  	s0 =	sor.u32 s4, s0;
	s1 =	sshll.u32 s1, $0x11  }
0xca: {  	s0 =	sor.u32 s1, s0  }
0xcb: {  	s0 =	sadd.s32 $0x8F2B, s0  }
0xcc: {  	[sflag:s0] =	ssyncadd.remote.s32 $0x1  }
0xcd: {  	_ =	sfence.sel $0xFFFF  }
0xce: {  	[dreg:$0x0] =	wrdreg $0xFFFFFFFF;
	(pc) =	sbr.abs _section_cstart, $3  }
0xcf: {  	[dreg:$0x1] =	wrdreg $0xFFFFFFFF  }
0xd0: {  	_ =	task.clear_ibuf [dreg:s22], $0x2FFFF;
	_ =	strace $0x9FFFFFFF  }
0xd1: {  	(tm) =	ssettm $0x7FFFFFFF  }
tec
execute0_lowered:
.L_overlay_start_1:
0x0: {  	(tag) =	ssettag $0x1  }
0x1: {  	s1 =	srdreg.scid  }
0x2: {  	s2 =	rddreg [dreg:$0x0];
	s0 =	stileid.u32  }
0x3: {  	s4 =	rddreg [dreg:$0x1];
	s3 =	simm.s32 $0x0;
	s12 =	simm.s32 $0x80  }
0x4: {  	s13 =	simm.s32 $0x5000;
	s14 =	simm.s32 $0x2;
	s15 =	simm.s32 $0xF80  }
0x5: {  	s16 =	simm.s32 $0x0;
	s8 =	sand.u32 $0x1, s1;
	s1 =	rddreg [dreg:$0x2]  }
0x6: {  	s5 =	sshll.u32 s0, $0x6;
	[smem:$0x7FF] =	sst s3;
	s9 =	sadd.s32 $0x8600, s4  }
0x7: {  	s11 =	sshll.u32 s0, $0x11;
	s6 =	sshll.u32 s8, $0x5;
	_ =	strace $0x8000004A  }
0x8: {  	s7 =	ssub.s32 $0x2, s8;
	s8 =	sshll.u32 s8, $0x10;
	s5 =	sor.u32 s6, s5  }
0x9: {  	s31 =	sshrl.u32 s7, $0x1;
	s6 =	sshll.u32 s5, $0x4;
	s5 =	sshll.u32 s5, $0xB  }
0xa: {  	s7 =	ssub.s32 s7, s31;
	s6 =	sadd.s32 s6, s4;
	s10 =	sadd.s32 s5, s9  }
0xb: {  	s5 =	smax.u32 s7, $0x1;
	s9 =	sadd.s32 s11, s9;
	s11 =	simm.s32 $0x1  }
0xc: {  	s4 =	sadd.s32 $0x4600, s6;
	s6 =	sadd.s32 $0xF000, s10;
	s7 =	sadd.s32 $0xF800, s10  }
0xd: {  	s8 =	sadd.s32 s8, s9;
	s9 =	simm.s32 $0x3;
	s10 =	simm.s32 $0x1000  }
.LBB2_1:
0xe: {  	[tilespmem:s3], [sflag:$0x3] =	stream.linear.gather [hbm4b:s4+s3], $0x1000, $0x38;
	[tilespmem:$0x9000] =	vst v63  }
0xf: {  	_ =	swait.ge [sflag:s9], $0x1000  }
0x10: {  	[sflag:s9] =	ssyncset.done $0x0  }
0x11: {  	[sflag:s9] =	ssyncadd.s32 $0xFFFFF000  }
0x12: {  	[tilespmem:s10], [sflag:$0x1] =	stream.indirect.gather [hbm4b:s2+s12], $0x80, s3, s12, $0xb8;
	[tilespmem:$0x9000] =	vst v63  }
0x13: {  	_ =	swait.ge [sflag:s11], $0x4000  }
0x14: {  	[sflag:s11] =	ssyncset.done $0x0  }
0x15: {  	[sflag:s11] =	ssyncadd.s32 $0xFFFFC000  }
0x16: {  	[tilespmem:s13], [sflag:$0x2] =	stream.indirect.gather [hbm4b:s2+s12], $0x80, s12, s12, $0xb8;
	[tilespmem:$0x9000] =	vst v63  }
0x17: {  	s17 =	sadd.s32 $0x0, s8  }
0x18: {  	[hbm4b:s17+s3] =	stream.linear.scatter [tilespmem:s10], [sflag:$0x3], $0x4000, $0x38;
	[tilespmem:$0x9000] =	vst v63  }
0x19: {  	_ =	swait.ge [sflag:s9], $0x4000  }
0x1a: {  	[sflag:s9] =	ssyncset.done $0x0  }
0x1b: {  	[sflag:s9] =	ssyncadd.s32 $0xFFFFC000  }
0x1c: {  	_ =	swait.ge [sflag:s14], $0x4000  }
0x1d: {  	[sflag:s14] =	ssyncset.done $0x0  }
0x1e: {  	s18 =	simm.s32 $0x100;
	[sflag:s14] =	ssyncadd.s32 $0xFFFFC000  }
0x1f: {  	[tilespmem:s10], [sflag:$0x1] =	stream.indirect.gather [hbm4b:s2+s12], $0x80, s18, s12, $0xb8;
	[tilespmem:$0x9000] =	vst v63  }
0x20: {  	s17 =	sadd.s32 $0x800, s17  }
0x21: {  	[hbm4b:s17+s3] =	stream.linear.scatter [tilespmem:s13], [sflag:$0x3], $0x4000, $0x38;
	[tilespmem:$0x9000] =	vst v63  }
0x22: {  	_ =	swait.ge [sflag:s9], $0x4000  }
0x23: {  	s18 =	simm.s32 $0x80;
	s17 =	simm.s32 $0x1000;
	[sflag:s9] =	ssyncset.done $0x0  }
.LBB2_2:
0x24: {  	p0 =	sne.s32 s17, $0xE000;
	[sflag:s9] =	ssyncadd.s32 $0xFFFFC000;
	s18 =	sadd.s32 $0x100, s18  }
0x25: {  	s19 =	smov.u32 s17;
	s17 =	sadd.s32 $0x1000, s17  }
0x26: {  	_ =	swait.ge [sflag:s11], $0x4000  }
0x27: {  	[sflag:s11] =	ssyncset.done $0x0  }
0x28: {  	[sflag:s11] =	ssyncadd.s32 $0xFFFFC000  }
0x29: {  	[tilespmem:s13], [sflag:$0x2] =	stream.indirect.gather [hbm4b:s2+s12], $0x80, s18, s12, $0xb8;
	[tilespmem:$0x9000] =	vst v63  }
0x2a: {  	s19 =	sadd.s32 s19, s8  }
0x2b: {  	[hbm4b:s19+s3] =	stream.linear.scatter [tilespmem:s10], [sflag:$0x3], $0x4000, $0x38;
	[tilespmem:$0x9000] =	vst v63  }
0x2c: {  	_ =	swait.ge [sflag:s9], $0x4000  }
0x2d: {  	[sflag:s9] =	ssyncset.done $0x0  }
0x2e: {  	[sflag:s9] =	ssyncadd.s32 $0xFFFFC000  }
0x2f: {  	_ =	swait.ge [sflag:s14], $0x4000  }
0x30: {  	[sflag:s14] =	ssyncset.done $0x0  }
0x31: {  	s20 =	sadd.s32 $0x80, s18;
	[sflag:s14] =	ssyncadd.s32 $0xFFFFC000  }
0x32: {  	[tilespmem:s10], [sflag:$0x1] =	stream.indirect.gather [hbm4b:s2+s12], $0x80, s20, s12, $0xb8;
	[tilespmem:$0x9000] =	vst v63  }
.Ltmp0:
0x33: {  	_ = 	snop;
	(pc) =	sbr.rel @p0 .LBB2_2-.Ltmp0, $4  }
0x34: {  	s19 =	sadd.s32 $0x800, s19  }
0x35: {  	[hbm4b:s19+s3] =	stream.linear.scatter [tilespmem:s13], [sflag:$0x3], $0x4000, $0x38;
	[tilespmem:$0x9000] =	vst v63  }
0x36: {  	_ =	swait.ge [sflag:s9], $0x4000  }
0x37: {  	[sflag:s9] =	ssyncset.done $0x0  }
0x38: {  	[sflag:s9] =	ssyncadd.s32 $0xFFFFC000  }
0x39: {  	_ =	swait.ge [sflag:s11], $0x4000  }
0x3a: {  	[sflag:s11] =	ssyncset.done $0x0  }
0x3b: {  	[sflag:s11] =	ssyncadd.s32 $0xFFFFC000  }
0x3c: {  	[tilespmem:s13], [sflag:$0x2] =	stream.indirect.gather [hbm4b:s2+s12], $0x80, s15, s12, $0xb8;
	[tilespmem:$0x9000] =	vst v63  }
0x3d: {  	_ = 	snop  }
0x3e: {  	[hbm4b:s6+s3] =	stream.linear.scatter [tilespmem:s10], [sflag:$0x3], $0x4000, $0x38;
	[tilespmem:$0x9000] =	vst v63  }
0x3f: {  	_ =	swait.ge [sflag:s9], $0x4000  }
0x40: {  	[sflag:s9] =	ssyncset.done $0x0  }
0x41: {  	[sflag:s9] =	ssyncadd.s32 $0xFFFFC000  }
0x42: {  	s16 =	sadd.s32 $0x1, s16;
	_ =	swait.ge [sflag:s14], $0x4000  }
0x43: {  	p0 =	sne.s32 s16, s5;
	[sflag:s14] =	ssyncset.done $0x0  }
.Ltmp1:
0x44: {  	[sflag:s14] =	ssyncadd.s32 $0xFFFFC000;
	(pc) =	sbr.rel @p0 .LBB2_1-.Ltmp1, $4  }
0x45: {  	[hbm4b:s7+s3] =	stream.linear.scatter [tilespmem:s13], [sflag:$0x3], $0x4000, $0x38;
	[tilespmem:$0x9000] =	vst v63  }
0x46: {  	_ =	swait.ge [sflag:s9], $0x4000  }
0x47: {  	[sflag:s9] =	ssyncset.done $0x0  }
0x48: {  	[sflag:s9] =	ssyncadd.s32 $0xFFFFC000  }
0x49: {  	_ =	sfence.sel $0x180000  }
0x4a: {  	[bflag:$0x0] =	sbarrier.arrive $0xFFFF  }
0x4b: {  	p0 =	sne.s32 s0, $0x0;
	_ =	strace $0x9000004A  }
0x4c: {  	s0 =	sadd.s32 @!p0 $0x100000, s1;
	[bflag:$0x2] =	sbarrier.arrive $0xFFFF  }
0x4d: {  	[sflag:s0] =	ssyncadd.tile.s32 @!p0 $0x1;
	_ =	shalt  }
.Lfunc_end2:
_tile_overlayer_lowered:
.L_overlay_start_2:
0x4e: {  	(tag) =	ssettag $0x2  }
0x4f: {  	s0 =	rddreg [dreg:$0x0];
	s2 =	stileid.u32  }
0x50: {  	s1 =	rddreg [dreg:$0x1];
	p0 =	sne.s32 s2, $0x0  }
0x51: {  	s3 =	rddreg [dreg:$0x2];
	[bflag:$0x3] =	sbarrier.arrive $0xFFFF;
	s2 =	simm.s32 @!p0 $0x1C03  }
0x52: {  	[timem:s3], [sflag:s2] =	dma.local @!p0 [hbm:s0], s1  }
0x53: {  	s0 =	simm.s32 @!p0 $0x3  }
0x54: {  	_ =	swait.ge @!p0 [sflag:s0], s1  }
0x55: {  	s1 =	ssub.s32 @!p0 $0x0, s1;
	[sflag:s0] =	ssyncset.done @!p0 $0x0  }
0x56: {  	[sflag:s0] =	ssyncadd.s32 @!p0 s1  }
0x57: {  	[bflag:$0x3] =	sbarrier.arrive $0xFFFF  }
0x58: {  	_ =	shalt  }

// kernel: kernel.9.cloned.1.call-start
scs
__scs_entry_jumppad:
0x0: {  	(pc) =	sbr.rel $0x88, $3  }
0x1: {  	(tag) =	ssettag $0x0;
	lr =	simm.s32 $0x1  }
0x2: {  	[smem:$0x3F9C] =	sst lr;
	_ =	strace $0xD0000000  }
0x3: {  	_ = 	snop  }
0x4: {  	_ = 	snop  }
0x5: {  	_ = 	snop  }
0x6: {  	_ = 	snop  }
0x7: {  	_ = 	snop  }
__scs_overlays_trampoline_lowered:
0x8: {  	[smem:$0x3FAB] =	sst s0  }
0x9: {  	[smem:$0x3FAC] =	sst s1  }
0xa: {  	[smem:$0x3FAD] =	sst s2  }
0xb: {  	[smem:$0x3FAE] =	sst s3  }
0xc: {  	[smem:$0x3FAF] =	sst s4  }
0xd: {  	[smem:$0x3FB0] =	sst s5  }
0xe: {  	[smem:$0x3FB1] =	sst s6  }
0xf: {  	[smem:$0x3FB2] =	sst s7  }
0x10: {  	[smem:$0x3FB3] =	sst s8  }
0x11: {  	[smem:$0x3FB4] =	sst s9;
	s0 =	simm.s32 @!p0 $0x0  }
0x12: {  	s1 =	sld [smem:$0x3F9A];
	s0 =	simm.s32 @p0 $0x1  }
0x13: {  	[smem:$0x3FB5] =	sst s0;
	s0 =	simm.s32 @!p1 $0x0  }
0x14: {  	s2 =	sld [smem:$0x3F99];
	s0 =	simm.s32 @p1 $0x1  }
0x15: {  	[smem:$0x3FB6] =	sst s0;
	s0 =	simm.s32 @!p2 $0x0  }
0x16: {  	s3 =	sld [smem:$0x3FDB];
	s0 =	simm.s32 @p2 $0x1  }
0x17: {  	s4 =	simm.s32 $0x1BF5;
	[smem:$0x3FB8] =	sst s0  }
0x18: {  	s0 =	sld [smem:$0x3F9B];
	_ =	swait.ge [sflag:s4], $0x0  }
0x19: {  	s7 =	sld [smem:$0x3F9C]  }
0x1a: {  	s8 =	sadd.s32 $0xFFFFE003, lr  }
0x1b: {  	s9 =	sadd.s32 $0xFFFFFEF7, lr;
	s5 =	simm.s32 $0xFFFFFFFF;
	p2 =	slt.u32 s8, $0xFFFFF086  }
0x1c: {  	p1 =	slt.u32 s9, $0xF7A;
	s5 =	simm.s32 @!p2 $0x0  }
0x1d: {  	s5 =	simm.s32 @p1 $0x1;
	p0 =	seq.s32 s7, s2  }
0x1e: {  	s7 =	smul.u32 @!p0 $0xF7A, s2;
	p2 =	seq.s32 @!p0 s5, $0x0  }
0x1f: {  	s9 =	smul.u32 $0xF7A, s1;
	s8 =	simm.s32 @!p0 $0x1BF5;
	p2 =	por !p2, p0  }
0x20: {  	[sflag:s8] =	ssyncset.s32 @!p0 $0xFFFFF086;
	s6 =	sadd.s32 @!p0 s3, s7;
	s7 =	simm.s32 @!p0 $0x108  }
0x21: {  	s3 =	sadd.s32 s3, s9;
	s6 =	sadd.s32 @!p0 $0x88, s6;
	s7 =	simm.s32 @p2 $0x1082  }
0x22: {  	[simem:s7], [sflag:s8] =	dma.local @!p0 [hbm:s6], $0xF7A  }
0x23: {  	s9 =	sor.u32 $0xD0000000, s2;
	s6 =	simm.s32 $0x108;
	_ =	swait.ge @!p0 [sflag:s8], $0x0  }
0x24: {  	s3 =	sadd.s32 $0x88, s3;
	s6 =	simm.s32 @!p1 $0x1082;
	[sflag:s4] =	ssyncset.s32 $0xFFFFF086  }
0x25: {  	[simem:s6], [sflag:s4] =	dma.local [hbm:s3], $0xF7A  }
0x26: {  	[smem:$0x3F9C] =	sst s1;
	(tag) =	ssettag s2;
	_ =	strace s9  }
0x27: {  	s1 =	sld [smem:$0x3FAC]  }
0x28: {  	s2 =	sld [smem:$0x3FAD]  }
0x29: {  	s4 =	sld [smem:$0x3FAF]  }
0x2a: {  	p0 =	seq.s32 s5, $0x0;
	s5 =	sld [smem:$0x3FB0]  }
0x2b: {  	s6 =	sld [smem:$0x3FB1]  }
0x2c: {  	s7 =	sld [smem:$0x3FB2]  }
0x2d: {  	s3 =	simm.s32 $0x108;
	s8 =	sld [smem:$0x3FB3]  }
0x2e: {  	s3 =	simm.s32 @!p0 $0x1082;
	s9 =	sld [smem:$0x3FB4]  }
0x2f: {  	lr =	sadd.s32 s0, s3;
	s0 =	sld [smem:$0x3FAB]  }
0x30: {  	s3 =	sld [smem:$0x3FAE]  }
0x31: {  	[smem:$0x3FB7] =	sst s10  }
0x32: {  	s10 =	sld [smem:$0x3FB5];
	_ =	sdelay $0x3  }
0x33: {  	p0 =	seq.s32 s10, $0x1;
	s10 =	sld [smem:$0x3FB7];
	_ =	sdelay $0x3  }
0x34: {  	[smem:$0x3FB7] =	sst s10  }
0x35: {  	s10 =	sld [smem:$0x3FB6];
	_ =	sdelay $0x3  }
0x36: {  	p1 =	seq.s32 s10, $0x1;
	s10 =	sld [smem:$0x3FB7];
	_ =	sdelay $0x3  }
0x37: {  	[smem:$0x3FB7] =	sst s10  }
0x38: {  	s10 =	sld [smem:$0x3FB8]  }
0x39: {  	_ = 	snop;
	(pc) =	sbr.ind lr, $3  }
0x3a: {  	_ = 	snop  }
0x3b: {  	_ = 	snop  }
0x3c: {  	p2 =	seq.s32 s10, $0x1;
	s10 =	sld [smem:$0x3FB7]  }
0x3d: {  	_ =	shalt  }
0x3e: {  	_ =	shalt  }
0x3f: {  	_ =	shalt  }
0x40: {  	_ =	shalt  }
0x41: {  	_ =	shalt  }
0x42: {  	_ =	shalt  }
0x43: {  	_ =	shalt  }
0x44: {  	_ =	shalt  }
0x45: {  	_ =	shalt  }
0x46: {  	_ =	shalt  }
0x47: {  	_ =	shalt  }
0x48: {  	_ =	shalt  }
0x49: {  	_ =	shalt  }
0x4a: {  	_ =	shalt  }
0x4b: {  	_ =	shalt  }
0x4c: {  	_ =	shalt  }
0x4d: {  	_ =	shalt  }
0x4e: {  	_ =	shalt  }
0x4f: {  	_ =	shalt  }
0x50: {  	_ =	shalt  }
0x51: {  	_ =	shalt  }
0x52: {  	_ =	shalt  }
0x53: {  	_ =	shalt  }
0x54: {  	_ =	shalt  }
0x55: {  	_ =	shalt  }
0x56: {  	_ =	shalt  }
0x57: {  	_ =	shalt  }
0x58: {  	_ =	shalt  }
0x59: {  	_ =	shalt  }
0x5a: {  	_ =	shalt  }
0x5b: {  	_ =	shalt  }
0x5c: {  	_ =	shalt  }
0x5d: {  	_ =	shalt  }
0x5e: {  	_ =	shalt  }
0x5f: {  	_ =	shalt  }
0x60: {  	_ =	shalt  }
0x61: {  	_ =	shalt  }
0x62: {  	_ =	shalt  }
0x63: {  	_ =	shalt  }
0x64: {  	_ =	shalt  }
0x65: {  	_ =	shalt  }
0x66: {  	_ =	shalt  }
0x67: {  	_ =	shalt  }
0x68: {  	_ =	shalt  }
0x69: {  	_ =	shalt  }
0x6a: {  	_ =	shalt  }
0x6b: {  	_ =	shalt  }
0x6c: {  	_ =	shalt  }
0x6d: {  	_ =	shalt  }
0x6e: {  	_ =	shalt  }
0x6f: {  	_ =	shalt  }
0x70: {  	_ =	shalt  }
0x71: {  	_ =	shalt  }
0x72: {  	_ =	shalt  }
0x73: {  	_ =	shalt  }
0x74: {  	_ =	shalt  }
0x75: {  	_ =	shalt  }
0x76: {  	_ =	shalt  }
0x77: {  	_ =	shalt  }
0x78: {  	_ =	shalt  }
0x79: {  	_ =	shalt  }
0x7a: {  	_ =	shalt  }
0x7b: {  	_ =	shalt  }
0x7c: {  	_ =	shalt  }
0x7d: {  	_ =	shalt  }
0x7e: {  	_ =	shalt  }
0x7f: {  	_ =	shalt  }
0x80: {  	_ =	shalt  }
0x81: {  	_ =	shalt  }
0x82: {  	_ =	shalt  }
0x83: {  	_ =	shalt  }
0x84: {  	_ =	shalt  }
0x85: {  	_ =	shalt  }
0x86: {  	_ =	shalt  }
0x87: {  	_ =	shalt  }
.Lfunc_end0:
.L_simem_size_0:
called_computation.1_lowered:
.L_overlay_start_0:
0x88: {  	s2 =	sld [smem:$0x3FD9]  }
0x89: {  	s3 =	sld [smem:$0x3FFE];
	_ =	sdelay $0x1  }
0x8a: {  	s1 =	srdreg.scid  }
0x8b: {  	s0 =	sand.u32 $0x1, s1  }
0x8c: {  	s14 =	sshll.u32 s0, $0xA;
	s2 =	sadd.s32 s3, s2  }
0x8d: {  	s2 =	sadd.s32 s2, s14  }
0x8e: {  	[smem:$0x3FC3] =	sst s2  }
0x8f: {  	_ = 	snop  }
0x90: {  	s2 =	sld [smem:$0x3FD0];
	_ =	sdelay $0x2  }
0x91: {  	s4 =	simm.s32 $0xB;
	s5 =	simm.s32 $0x10;
	s15 =	sld [smem:$0x3FC5]  }
0x92: {  	[smem:s5], [sflag:s4] =	dma.local [hbm:s2], $0x1  }
0x93: {  	_ =	swait.eq [sflag:s4], $0x1  }
0x94: {  	[sflag:s4] =	ssyncset.done $0x0  }
0x95: {  	[sflag:s4] =	ssyncadd.s32 $0xFFFFFFFF  }
0x96: {  	s16 =	sld [smem:$0x11];
	(tm) =	ssettm $0x1  }
0x97: {  	s17 =	sld [smem:$0x3FFB];
	_ =	sdelay $0x3  }
0x98: {  	_ =	strace s17  }
0x99: {  	s4 =	sld [smem:$0x3FFC];
	_ =	sdelay $0x3  }
0x9a: {  	_ =	strace s4  }
0x9b: {  	s4 =	sld [smem:$0x3FFD];
	_ =	sdelay $0x3  }
0x9c: {  	_ =	strace s4  }
0x9d: {  	_ =	strace $0x8FFFFFFF  }
0x9e: {  	s18 =	sld [smem:$0x3FDB];
	_ =	sdelay $0x1  }
0x9f: {  	s19 =	simm.s32 $_scs_section_size  }
0xa0: {  	s6 =	simm.s32 $_size__tile_overlayer_lowered;
	s7 =	simm.s32 $_tile_overlayer_lowered  }
0xa1: {  	s22 =	simm.s32 $0x1BFF;
	s21 =	sshll.u32 s7, $0x1;
	s4 =	sadd.s32 s19, s18  }
0xa2: {  	s8 =	simm.s32 $0x0;
	s20 =	sshll.u32 s6, $0x1;
	s6 =	sadd.s32 s21, s4  }
0xa3: {  	[timem:s8], [sflag:s22] =	dma.local [hbm:s6], s20  }
0xa4: {  	_ =	swait.ge [sflag:s22], s20  }
0xa5: {  	s5 =	ssub.s32 $0x0, s20;
	[sflag:s22] =	ssyncset.done $0x0  }
0xa6: {  	[sflag:s22] =	ssyncadd.s32 s5;
	_ =	sdelay $0x1  }
0xa7: {  	s23 =	simm.s32 $0x1B8B  }
0xa8: {  	_ =	swait.ge [sflag:s23], $0x1  }
0xa9: {  	[sflag:s23] =	ssyncset.done $0x0  }
0xaa: {  	s25 =	simm.s32 $0x1B8E;
	s24 =	sld [smem:$0x3FFE];
	[sflag:s23] =	ssyncadd.s32 $0xFFFFFFFF  }
0xab: {  	s26 =	simm.s32 $execute0_lowered;
	[smem:$0x3FD2] =	sst s25  }
0xac: {  	s6 =	sshll.u32 s26, $0x1;
	_ =	strace $0x80000046;
	[dreg:$0x1] =	wrdreg $0xFFFFFFFF  }
0xad: {  	s28 =	simm.s32 $_size_execute0_lowered;
	s4 =	sadd.s32 s4, s6;
	[dreg:$0x0] =	wrdreg $0x0  }
0xae: {  	s6 =	sshll.u32 s28, $0x1;
	[dreg:$0x2] =	wrdreg s4  }
0xaf: {  	[dreg:$0x3] =	wrdreg s6  }
0xb0: {  	[dreg:$0x4] =	wrdreg $0xC0  }
0xb1: {  	_ =	task [dreg:s8], $0x5FFFF  }
0xb2: {  	[dreg:$0x1] =	wrdreg $0xFFFFFFFF  }
0xb3: {  	[dreg:$0x0] =	wrdreg $0x60  }
0xb4: {  	[dreg:$0x2] =	wrdreg s15  }
0xb5: {  	[dreg:$0x3] =	wrdreg s24  }
0xb6: {  	[dreg:$0x4] =	wrdreg s16  }
0xb7: {  	[dreg:$0x5] =	wrdreg $0xA  }
0xb8: {  	_ =	task.clear_ibuf [dreg:s8], $0x6FFFF;
	_ =	strace $0x90000046  }
0xb9: {  	s29 =	simm.s32 $0xA;
	_ =	strace $0x80000048  }
0xba: {  	_ =	swait.ge [sflag:s29], $0x1  }
0xbb: {  	[sflag:s29] =	ssyncadd.s32 $0xFFFFFFFF  }
0xbc: {  	_ =	strace $0x90000048  }
0xbd: {  	_ =	sfence  }
0xbe: {  	s30 =	sld [smem:$0x0];
	_ =	sdelay $0x2  }
0xbf: {  	s31 =	sshll.u32 s1, $0xD;
	s1 =	sshrl.u32 s1, $0x2  }
0xc0: {  	s3 =	sand.u32 $0x4000, s31;
	s1 =	sadd.s32 s1, s30  }
0xc1: {  	s0 =	sor.u32 s3, s0;
	s1 =	sshll.u32 s1, $0x11  }
0xc2: {  	s0 =	sor.u32 s1, s0  }
0xc3: {  	s0 =	sadd.s32 $0x8F2B, s0  }
0xc4: {  	[sflag:s0] =	ssyncadd.remote.s32 $0x1  }
0xc5: {  	_ =	sfence.sel $0xFFFF  }
0xc6: {  	[dreg:$0x0] =	wrdreg $0xFFFFFFFF;
	(pc) =	sbr.abs _section_cstart, $3  }
0xc7: {  	[dreg:$0x1] =	wrdreg $0xFFFFFFFF  }
0xc8: {  	_ =	task.clear_ibuf [dreg:s8], $0x2FFFF;
	_ =	strace $0x9FFFFFFF  }
0xc9: {  	(tm) =	ssettm $0x7FFFFFFF  }
tec
execute0_lowered:
.L_overlay_start_1:
0x0: {  	(tag) =	ssettag $0x1  }
0x1: {  	s2 =	srdreg.scid  }
0x2: {  	s1 =	rddreg [dreg:$0x0];
	s0 =	stileid.u32;
	s24 =	sand.u32 $0x1, s2  }
0x3: {  	s4 =	rddreg [dreg:$0x1];
	s31 =	sshll.u32 s0, $0x4;
	s3 =	sshll.u32 s24, $0x3  }
0x4: {  	s10 =	rddreg [dreg:$0x2];
	s9 =	sor.u32 s3, s31  }
0x5: {  	s2 =	rddreg [dreg:$0x3];
	s3 =	simm.s32 $0x0;
	s5 =	sshll.u32 s9, $0x4  }
0x6: {  	[smem:$0x7FF] =	sst s3;
	s4 =	sadd.s32 s5, s4  }
0x7: {  	_ =	strace $0x80000047;
	s5 =	sadd.s32 $0x3200, s4;
	s4 =	simm.s32 $0x3  }
0x8: {  	[tilespmem:s3], [sflag:$0x3] =	stream.linear.gather [hbm4b:s5+s3], $0x400, $0x38;
	[tilespmem:$0x8400] =	vst v63  }
0x9: {  	_ =	swait.ge [sflag:s4], $0x400  }
0xa: {  	s6 =	simm.s32 $0x80;
	[sflag:s4] =	ssyncset.done $0x0  }
0xb: {  	s7 =	simm.s32 $0x400;
	s8 =	simm.s32 $0x1;
	[sflag:s4] =	ssyncadd.s32 $0xFFFFFC00  }
0xc: {  	[tilespmem:s7], [sflag:$0x1] =	stream.indirect.gather [hbm4b:s1+s6], $0x80, s3, s6, $0xb8;
	[tilespmem:$0x8400] =	vst v63  }
0xd: {  	_ =	swait.ge [sflag:s8], $0x4000  }
0xe: {  	[sflag:s8] =	ssyncset.done $0x0  }
0xf: {  	s11 =	sshll.u32 s9, $0xB;
	s9 =	simm.s32 $0x4400;
	[sflag:s8] =	ssyncadd.s32 $0xFFFFC000  }
0x10: {  	[tilespmem:s9], [sflag:$0x2] =	stream.indirect.gather [hbm4b:s1+s6], $0x80, s6, s6, $0xb8;
	[tilespmem:$0x8400] =	vst v63  }
0x11: {  	s10 =	sadd.s32 s10, s11  }
0x12: {  	[hbm4b:s10+s3] =	stream.linear.scatter [tilespmem:s7], [sflag:$0x3], $0x4000, $0x38;
	[tilespmem:$0x8400] =	vst v63  }
0x13: {  	_ =	swait.ge [sflag:s4], $0x4000  }
0x14: {  	[sflag:s4] =	ssyncset.done $0x0  }
0x15: {  	s11 =	simm.s32 $0x2;
	[sflag:s4] =	ssyncadd.s32 $0xFFFFC000  }
0x16: {  	_ =	swait.ge [sflag:s11], $0x4000  }
0x17: {  	[sflag:s11] =	ssyncset.done $0x0  }
0x18: {  	s12 =	simm.s32 $0x100;
	[sflag:s11] =	ssyncadd.s32 $0xFFFFC000  }
0x19: {  	[tilespmem:s7], [sflag:$0x1] =	stream.indirect.gather [hbm4b:s1+s6], $0x80, s12, s6, $0xb8;
	[tilespmem:$0x8400] =	vst v63  }
0x1a: {  	s13 =	sadd.s32 $0x800, s10  }
0x1b: {  	[hbm4b:s13+s3] =	stream.linear.scatter [tilespmem:s9], [sflag:$0x3], $0x4000, $0x38;
	[tilespmem:$0x8400] =	vst v63  }
0x1c: {  	_ =	swait.ge [sflag:s4], $0x4000  }
0x1d: {  	[sflag:s4] =	ssyncset.done $0x0  }
0x1e: {  	[sflag:s4] =	ssyncadd.s32 $0xFFFFC000  }
0x1f: {  	_ =	swait.ge [sflag:s8], $0x4000  }
0x20: {  	[sflag:s8] =	ssyncset.done $0x0  }
0x21: {  	s14 =	simm.s32 $0x180;
	[sflag:s8] =	ssyncadd.s32 $0xFFFFC000  }
0x22: {  	[tilespmem:s9], [sflag:$0x2] =	stream.indirect.gather [hbm4b:s1+s6], $0x80, s14, s6, $0xb8;
	[tilespmem:$0x8400] =	vst v63  }
0x23: {  	s15 =	sadd.s32 $0x1000, s10  }
0x24: {  	[hbm4b:s15+s3] =	stream.linear.scatter [tilespmem:s7], [sflag:$0x3], $0x4000, $0x38;
	[tilespmem:$0x8400] =	vst v63  }
0x25: {  	_ =	swait.ge [sflag:s4], $0x4000  }
0x26: {  	[sflag:s4] =	ssyncset.done $0x0  }
0x27: {  	[sflag:s4] =	ssyncadd.s32 $0xFFFFC000  }
0x28: {  	_ =	swait.ge [sflag:s11], $0x4000  }
0x29: {  	[sflag:s11] =	ssyncset.done $0x0  }
0x2a: {  	s16 =	simm.s32 $0x200;
	[sflag:s11] =	ssyncadd.s32 $0xFFFFC000  }
0x2b: {  	[tilespmem:s7], [sflag:$0x1] =	stream.indirect.gather [hbm4b:s1+s6], $0x80, s16, s6, $0xb8;
	[tilespmem:$0x8400] =	vst v63  }
0x2c: {  	s17 =	sadd.s32 $0x1800, s10  }
0x2d: {  	[hbm4b:s17+s3] =	stream.linear.scatter [tilespmem:s9], [sflag:$0x3], $0x4000, $0x38;
	[tilespmem:$0x8400] =	vst v63  }
0x2e: {  	_ =	swait.ge [sflag:s4], $0x4000  }
0x2f: {  	[sflag:s4] =	ssyncset.done $0x0  }
0x30: {  	[sflag:s4] =	ssyncadd.s32 $0xFFFFC000  }
0x31: {  	_ =	swait.ge [sflag:s8], $0x4000  }
0x32: {  	[sflag:s8] =	ssyncset.done $0x0  }
0x33: {  	s18 =	simm.s32 $0x280;
	[sflag:s8] =	ssyncadd.s32 $0xFFFFC000  }
0x34: {  	[tilespmem:s9], [sflag:$0x2] =	stream.indirect.gather [hbm4b:s1+s6], $0x80, s18, s6, $0xb8;
	[tilespmem:$0x8400] =	vst v63  }
0x35: {  	s19 =	sadd.s32 $0x2000, s10  }
0x36: {  	[hbm4b:s19+s3] =	stream.linear.scatter [tilespmem:s7], [sflag:$0x3], $0x4000, $0x38;
	[tilespmem:$0x8400] =	vst v63  }
0x37: {  	_ =	swait.ge [sflag:s4], $0x4000  }
0x38: {  	[sflag:s4] =	ssyncset.done $0x0  }
0x39: {  	[sflag:s4] =	ssyncadd.s32 $0xFFFFC000  }
0x3a: {  	_ =	swait.ge [sflag:s11], $0x4000  }
0x3b: {  	[sflag:s11] =	ssyncset.done $0x0  }
0x3c: {  	s20 =	simm.s32 $0x300;
	[sflag:s11] =	ssyncadd.s32 $0xFFFFC000  }
0x3d: {  	[tilespmem:s7], [sflag:$0x1] =	stream.indirect.gather [hbm4b:s1+s6], $0x80, s20, s6, $0xb8;
	[tilespmem:$0x8400] =	vst v63  }
0x3e: {  	s21 =	sadd.s32 $0x2800, s10  }
0x3f: {  	[hbm4b:s21+s3] =	stream.linear.scatter [tilespmem:s9], [sflag:$0x3], $0x4000, $0x38;
	[tilespmem:$0x8400] =	vst v63  }
0x40: {  	_ =	swait.ge [sflag:s4], $0x4000  }
0x41: {  	[sflag:s4] =	ssyncset.done $0x0  }
0x42: {  	[sflag:s4] =	ssyncadd.s32 $0xFFFFC000  }
0x43: {  	_ =	swait.ge [sflag:s8], $0x4000  }
0x44: {  	[sflag:s8] =	ssyncset.done $0x0  }
0x45: {  	s22 =	simm.s32 $0x380;
	[sflag:s8] =	ssyncadd.s32 $0xFFFFC000  }
0x46: {  	[tilespmem:s9], [sflag:$0x2] =	stream.indirect.gather [hbm4b:s1+s6], $0x80, s22, s6, $0xb8;
	[tilespmem:$0x8400] =	vst v63  }
0x47: {  	s24 =	ssub.s32 $0x2, s24;
	s23 =	sadd.s32 $0x3000, s10  }
0x48: {  	[hbm4b:s23+s3] =	stream.linear.scatter [tilespmem:s7], [sflag:$0x3], $0x4000, $0x38;
	[tilespmem:$0x8400] =	vst v63  }
0x49: {  	s25 =	sshrl.u32 s24, $0x1;
	_ =	swait.ge [sflag:s4], $0x4000  }
0x4a: {  	s24 =	ssub.s32 s24, s25;
	[sflag:s4] =	ssyncset.done $0x0  }
0x4b: {  	s25 =	smax.u32 s24, $0x1;
	[sflag:s4] =	ssyncadd.s32 $0xFFFFC000  }
0x4c: {  	p0 =	sne.s32 s25, $0x1;
	_ =	swait.ge [sflag:s11], $0x4000  }
.Ltmp0:
0x4d: {  	[sflag:s11] =	ssyncset.done $0x0;
	(pc) =	sbr.rel @!p0 .LBB2_2-.Ltmp0, $4  }
0x4e: {  	s24 =	sadd.s32 $0x3800, s10;
	[sflag:s11] =	ssyncadd.s32 $0xFFFFC000  }
0x4f: {  	[hbm4b:s24+s3] =	stream.linear.scatter [tilespmem:s9], [sflag:$0x3], $0x4000, $0x38;
	[tilespmem:$0x8400] =	vst v63  }
0x50: {  	_ =	swait.ge [sflag:s4], $0x4000  }
0x51: {  	s25 =	sadd.s32 $0xFFFFFFFF, s25;
	[sflag:s4] =	ssyncset.done $0x0  }
.LBB2_1:
0x52: {  	p0 =	sne.s32 s25, $0x1;
	s25 =	sadd.s32 $0xFFFFFFFF, s25;
	[sflag:s4] =	ssyncadd.s32 $0xFFFFC000  }
0x53: {  	[tilespmem:s3], [sflag:$0x3] =	stream.linear.gather [hbm4b:s5+s3], $0x400, $0x38;
	[tilespmem:$0x8400] =	vst v63  }
0x54: {  	_ =	swait.ge [sflag:s4], $0x400  }
0x55: {  	[sflag:s4] =	ssyncset.done $0x0  }
0x56: {  	[sflag:s4] =	ssyncadd.s32 $0xFFFFFC00  }
0x57: {  	[tilespmem:s7], [sflag:$0x1] =	stream.indirect.gather [hbm4b:s1+s6], $0x80, s3, s6, $0xb8;
	[tilespmem:$0x8400] =	vst v63  }
0x58: {  	_ =	swait.ge [sflag:s8], $0x4000  }
0x59: {  	[sflag:s8] =	ssyncset.done $0x0  }
0x5a: {  	[sflag:s8] =	ssyncadd.s32 $0xFFFFC000  }
0x5b: {  	[tilespmem:s9], [sflag:$0x2] =	stream.indirect.gather [hbm4b:s1+s6], $0x80, s6, s6, $0xb8;
	[tilespmem:$0x8400] =	vst v63  }
0x5c: {  	_ = 	snop  }
0x5d: {  	[hbm4b:s10+s3] =	stream.linear.scatter [tilespmem:s7], [sflag:$0x3], $0x4000, $0x38;
	[tilespmem:$0x8400] =	vst v63  }
0x5e: {  	_ =	swait.ge [sflag:s4], $0x4000  }
0x5f: {  	[sflag:s4] =	ssyncset.done $0x0  }
0x60: {  	[sflag:s4] =	ssyncadd.s32 $0xFFFFC000  }
0x61: {  	_ =	swait.ge [sflag:s11], $0x4000  }
0x62: {  	[sflag:s11] =	ssyncset.done $0x0  }
0x63: {  	[sflag:s11] =	ssyncadd.s32 $0xFFFFC000  }
0x64: {  	[tilespmem:s7], [sflag:$0x1] =	stream.indirect.gather [hbm4b:s1+s6], $0x80, s12, s6, $0xb8;
	[tilespmem:$0x8400] =	vst v63  }
0x65: {  	_ = 	snop  }
0x66: {  	[hbm4b:s13+s3] =	stream.linear.scatter [tilespmem:s9], [sflag:$0x3], $0x4000, $0x38;
	[tilespmem:$0x8400] =	vst v63  }
0x67: {  	_ =	swait.ge [sflag:s4], $0x4000  }
0x68: {  	[sflag:s4] =	ssyncset.done $0x0  }
0x69: {  	[sflag:s4] =	ssyncadd.s32 $0xFFFFC000  }
0x6a: {  	_ =	swait.ge [sflag:s8], $0x4000  }
0x6b: {  	[sflag:s8] =	ssyncset.done $0x0  }
0x6c: {  	[sflag:s8] =	ssyncadd.s32 $0xFFFFC000  }
0x6d: {  	[tilespmem:s9], [sflag:$0x2] =	stream.indirect.gather [hbm4b:s1+s6], $0x80, s14, s6, $0xb8;
	[tilespmem:$0x8400] =	vst v63  }
0x6e: {  	_ = 	snop  }
0x6f: {  	[hbm4b:s15+s3] =	stream.linear.scatter [tilespmem:s7], [sflag:$0x3], $0x4000, $0x38;
	[tilespmem:$0x8400] =	vst v63  }
0x70: {  	_ =	swait.ge [sflag:s4], $0x4000  }
0x71: {  	[sflag:s4] =	ssyncset.done $0x0  }
0x72: {  	[sflag:s4] =	ssyncadd.s32 $0xFFFFC000  }
0x73: {  	_ =	swait.ge [sflag:s11], $0x4000  }
0x74: {  	[sflag:s11] =	ssyncset.done $0x0  }
0x75: {  	[sflag:s11] =	ssyncadd.s32 $0xFFFFC000  }
0x76: {  	[tilespmem:s7], [sflag:$0x1] =	stream.indirect.gather [hbm4b:s1+s6], $0x80, s16, s6, $0xb8;
	[tilespmem:$0x8400] =	vst v63  }
0x77: {  	_ = 	snop  }
0x78: {  	[hbm4b:s17+s3] =	stream.linear.scatter [tilespmem:s9], [sflag:$0x3], $0x4000, $0x38;
	[tilespmem:$0x8400] =	vst v63  }
0x79: {  	_ =	swait.ge [sflag:s4], $0x4000  }
0x7a: {  	[sflag:s4] =	ssyncset.done $0x0  }
0x7b: {  	[sflag:s4] =	ssyncadd.s32 $0xFFFFC000  }
0x7c: {  	_ =	swait.ge [sflag:s8], $0x4000  }
0x7d: {  	[sflag:s8] =	ssyncset.done $0x0  }
0x7e: {  	[sflag:s8] =	ssyncadd.s32 $0xFFFFC000  }
0x7f: {  	[tilespmem:s9], [sflag:$0x2] =	stream.indirect.gather [hbm4b:s1+s6], $0x80, s18, s6, $0xb8;
	[tilespmem:$0x8400] =	vst v63  }
0x80: {  	_ = 	snop  }
0x81: {  	[hbm4b:s19+s3] =	stream.linear.scatter [tilespmem:s7], [sflag:$0x3], $0x4000, $0x38;
	[tilespmem:$0x8400] =	vst v63  }
0x82: {  	_ =	swait.ge [sflag:s4], $0x4000  }
0x83: {  	[sflag:s4] =	ssyncset.done $0x0  }
0x84: {  	[sflag:s4] =	ssyncadd.s32 $0xFFFFC000  }
0x85: {  	_ =	swait.ge [sflag:s11], $0x4000  }
0x86: {  	[sflag:s11] =	ssyncset.done $0x0  }
0x87: {  	[sflag:s11] =	ssyncadd.s32 $0xFFFFC000  }
0x88: {  	[tilespmem:s7], [sflag:$0x1] =	stream.indirect.gather [hbm4b:s1+s6], $0x80, s20, s6, $0xb8;
	[tilespmem:$0x8400] =	vst v63  }
0x89: {  	_ = 	snop  }
0x8a: {  	[hbm4b:s21+s3] =	stream.linear.scatter [tilespmem:s9], [sflag:$0x3], $0x4000, $0x38;
	[tilespmem:$0x8400] =	vst v63  }
0x8b: {  	_ =	swait.ge [sflag:s4], $0x4000  }
0x8c: {  	[sflag:s4] =	ssyncset.done $0x0  }
0x8d: {  	[sflag:s4] =	ssyncadd.s32 $0xFFFFC000  }
0x8e: {  	_ =	swait.ge [sflag:s8], $0x4000  }
0x8f: {  	[sflag:s8] =	ssyncset.done $0x0  }
0x90: {  	[sflag:s8] =	ssyncadd.s32 $0xFFFFC000  }
0x91: {  	[tilespmem:s9], [sflag:$0x2] =	stream.indirect.gather [hbm4b:s1+s6], $0x80, s22, s6, $0xb8;
	[tilespmem:$0x8400] =	vst v63  }
0x92: {  	_ = 	snop  }
0x93: {  	[hbm4b:s23+s3] =	stream.linear.scatter [tilespmem:s7], [sflag:$0x3], $0x4000, $0x38;
	[tilespmem:$0x8400] =	vst v63  }
0x94: {  	_ =	swait.ge [sflag:s4], $0x4000  }
0x95: {  	[sflag:s4] =	ssyncset.done $0x0  }
0x96: {  	[sflag:s4] =	ssyncadd.s32 $0xFFFFC000  }
0x97: {  	_ =	swait.ge [sflag:s11], $0x4000  }
.Ltmp1:
0x98: {  	[sflag:s11] =	ssyncset.done $0x0;
	(pc) =	sbr.rel @p0 .LBB2_1-.Ltmp1, $4  }
0x99: {  	[sflag:s11] =	ssyncadd.s32 $0xFFFFC000  }
0x9a: {  	[hbm4b:s24+s3] =	stream.linear.scatter [tilespmem:s9], [sflag:$0x3], $0x4000, $0x38;
	[tilespmem:$0x8400] =	vst v63  }
0x9b: {  	_ =	swait.ge [sflag:s4], $0x4000  }
0x9c: {  	[sflag:s4] =	ssyncset.done $0x0  }
.LBB2_2:
0x9d: {  	[sflag:s4] =	ssyncadd.s32 $0xFFFFC000  }
0x9e: {  	_ =	sfence.sel $0x180000  }
0x9f: {  	[bflag:$0x0] =	sbarrier.arrive $0xFFFF  }
0xa0: {  	p0 =	sne.s32 s0, $0x0;
	_ =	strace $0x90000047  }
0xa1: {  	s0 =	sadd.s32 @!p0 $0x100000, s2;
	[bflag:$0x2] =	sbarrier.arrive $0xFFFF  }
0xa2: {  	[sflag:s0] =	ssyncadd.tile.s32 @!p0 $0x1;
	_ =	shalt  }
.Lfunc_end2:
_tile_overlayer_lowered:
.L_overlay_start_2:
0xa3: {  	(tag) =	ssettag $0x2  }
0xa4: {  	s0 =	rddreg [dreg:$0x0];
	s2 =	stileid.u32  }
0xa5: {  	s1 =	rddreg [dreg:$0x1];
	p0 =	sne.s32 s2, $0x0  }
0xa6: {  	s3 =	rddreg [dreg:$0x2];
	[bflag:$0x3] =	sbarrier.arrive $0xFFFF;
	s2 =	simm.s32 @!p0 $0x1C03  }
0xa7: {  	[timem:s3], [sflag:s2] =	dma.local @!p0 [hbm:s0], s1  }
0xa8: {  	s0 =	simm.s32 @!p0 $0x3  }
0xa9: {  	_ =	swait.ge @!p0 [sflag:s0], s1  }
0xaa: {  	s1 =	ssub.s32 @!p0 $0x0, s1;
	[sflag:s0] =	ssyncset.done @!p0 $0x0  }
0xab: {  	[sflag:s0] =	ssyncadd.s32 @!p0 s1  }
0xac: {  	[bflag:$0x3] =	sbarrier.arrive $0xFFFF  }
0xad: {  	_ =	shalt  }

</sc_bundles>
